<compile_context>
chip_gen: v7x
topology: tpu7x:2x2x1
jax: 0.10.2.dev20260603
libtpu: 0.0.44.dev20260713+nightly
codegen_flags: <defaults>
</compile_context>

<pallas_src>
import functools

import jax
import jax.numpy as jnp
from jax import lax
from jax.experimental import pallas as pl
from jax.experimental.pallas import tpu as pltpu
from jax.experimental.pallas import tpu_sc as plsc

NODES = 10000
EDGES = 320000
FEAT = 128

NC, NS = 2, 16
NW = NC * NS
CH = 64
EPW = EDGES // NW
DEPTH = 4
CPW = -(-EPW // CH)
CPW = -(-CPW // DEPTH) * DEPTH
PAD = CPW * CH - EPW
RPT = 632
NODES_PAD = NS * RPT
SEG = 4
CPS = CPW // SEG


def _sc_body(x_hbm, src_hbm, tgt_hbm, zero_hbm, out0, out1,
             acc, sidx, tidx, *bufs):
    rows = bufs[:DEPTH]
    gsems = bufs[DEPTH:2 * DEPTH]
    ssems = bufs[2 * DEPTH:3 * DEPTH]
    c = lax.axis_index("c")
    s = lax.axis_index("s")
    wid = s * NC + c

    row0 = s * RPT
    pltpu.sync_copy(zero_hbm.at[pl.ds(row0, RPT)], acc.at[pl.ds(row0, RPT)])

    plsc.subcore_barrier()

    cbase = wid * CPW

    for seg in range(SEG):
        pltpu.sync_copy(src_hbm.at[pl.ds(cbase + seg * CPS, CPS)], sidx)
        pltpu.sync_copy(tgt_hbm.at[pl.ds(cbase + seg * CPS, CPS)], tidx)

        def body(j, carry):
            k = j * DEPTH
            for b in range(DEPTH):
                @pl.when(j > 0)
                def _(b=b, k=k):
                    pltpu.make_async_copy(
                        rows[b], acc.at[tidx.at[k + b - DEPTH]],
                        ssems[b]).wait()
                pltpu.async_copy(x_hbm.at[sidx.at[k + b]], rows[b], gsems[b])
            for b in range(DEPTH):
                pltpu.make_async_copy(x_hbm.at[sidx.at[k + b]], rows[b],
                                      gsems[b]).wait()
                pltpu.async_copy(
                    rows[b], acc.at[tidx.at[k + b]], ssems[b], add=True)
            return carry

        lax.fori_loop(0, CPS // DEPTH, body, 0)
        for b in range(DEPTH):
            pltpu.make_async_copy(
                rows[b], acc.at[tidx.at[CPS - DEPTH + b]], ssems[b]).wait()
    plsc.subcore_barrier()

    @pl.when(c == 0)
    def _():
        pltpu.sync_copy(acc.at[pl.ds(row0, RPT)], out0.at[pl.ds(row0, RPT)])

    @pl.when(c == 1)
    def _():
        pltpu.sync_copy(acc.at[pl.ds(row0, RPT)], out1.at[pl.ds(row0, RPT)])


_sc_scatter = functools.partial(
    pl.kernel,
    mesh=plsc.VectorSubcoreMesh(core_axis_name="c", subcore_axis_name="s"),
    out_type=(
        jax.ShapeDtypeStruct((NODES_PAD, FEAT), jnp.float32),
        jax.ShapeDtypeStruct((NODES_PAD, FEAT), jnp.float32),
    ),
    scratch_types=[
        pltpu.VMEM_SHARED((NODES_PAD, FEAT), jnp.float32),
        pltpu.VMEM((CPS, CH), jnp.int32),
        pltpu.VMEM((CPS, CH), jnp.int32),
    ] + [pltpu.VMEM((CH, FEAT), jnp.float32) for _ in range(DEPTH)]
      + [pltpu.SemaphoreType.DMA for _ in range(2 * DEPTH)],
)(_sc_body)


def _add_body(a_ref, b_ref, o_ref):
    o_ref[...] = a_ref[...] + b_ref[...]


_tc_add = pl.pallas_call(
    _add_body,
    grid=(NS,),
    in_specs=[
        pl.BlockSpec((RPT, FEAT), lambda i: (i, 0)),
        pl.BlockSpec((RPT, FEAT), lambda i: (i, 0)),
    ],
    out_specs=pl.BlockSpec((RPT, FEAT), lambda i: (i, 0)),
    out_shape=jax.ShapeDtypeStruct((NODES_PAD, FEAT), jnp.float32),
)


def kernel(x, edge_index):
    src = edge_index[0].reshape(NW, EPW)
    tgt = edge_index[1].reshape(NW, EPW)
    pid = jnp.arange(PAD, dtype=jnp.int32)[None, :]
    wid = jnp.arange(NW, dtype=jnp.int32)[:, None]
    spad = (wid * PAD + pid) % NODES
    src = jnp.concatenate([src, spad], axis=1).reshape(NW * CPW, CH)
    tpad = NODES + (wid * PAD + pid) % (NODES_PAD - NODES)
    tgt = jnp.concatenate([tgt, tpad], axis=1).reshape(NW * CPW, CH)
    zero = jnp.zeros((NODES_PAD, FEAT), jnp.float32)
    p0, p1 = _sc_scatter(x, src, tgt, zero)
    return _tc_add(p0, p1)[:NODES]

# --- scband reference (transcript-rebuilt; emitter-appended) ---
"""Pipeline reference for scband-message-passing-84482006712921 (READ-ONLY COPY).

The authoritative reference and input builder live on the scoring server;
editing this copy changes nothing except your own understanding.
"""

import jax, jax.numpy as jnp
import numpy as np

N_NODES = 10000
N_EDGES = 320000
D_FEAT = 128


def setup_inputs(seed: int = 0) -> dict:
    key = jax.random.key(seed)
    k1, k2 = jax.random.split(key)
    x = jax.random.normal(k1, (N_NODES, D_FEAT), dtype=jnp.float32)
    edge_index = jax.random.randint(k2, (2, N_EDGES), 0, N_NODES, dtype=jnp.int32)
    return {"x": x, "edge_index": edge_index}


def reference(x, edge_index):
    # MessagePassing(aggr='sum', flow='src_to_tgt') with the canonical
    # identity message (message = x_j) and identity update (update = aggr_out).
    src = edge_index[0]
    tgt = edge_index[1]
    # message_: gather source node features along edges -> x_j
    messages = jnp.take(x, src, axis=0)
    # scatter(messages, tgt, dim=0, reduce='sum')
    aggr_out = jax.ops.segment_sum(messages, tgt, num_segments=N_NODES)
    # update_: identity
    return aggr_out

if __name__ == "__main__":
    import jax
    _d = setup_inputs()
    print(jax.jit(kernel)(*tuple(_d.values())))

</pallas_src>

<mosaic_0001>
#map = affine_map<(d0, d1) -> (0, 0)>
module attributes {stable_mosaic.version = 14 : i64} {
  func.func @_sc_body(%arg0: i32, %arg1: i32, %arg2: memref<10000x128xf32, #tpu.memory_space<hbm>>, %arg3: memref<5120x64xi32, #tpu.memory_space<hbm>>, %arg4: memref<5120x64xi32, #tpu.memory_space<hbm>>, %arg5: memref<10112x128xf32, #tpu.memory_space<hbm>>, %arg6: memref<10112x128xf32, #tpu.memory_space<hbm>>, %arg7: memref<10112x128xf32, #tpu.memory_space<hbm>>, %arg8: memref<10112x128xf32, #tpu.memory_space<vmem_shared>>, %arg9: memref<40x64xi32, #tpu.memory_space<vmem>>, %arg10: memref<40x64xi32, #tpu.memory_space<vmem>>, %arg11: memref<64x128xf32, #tpu.memory_space<vmem>>, %arg12: memref<64x128xf32, #tpu.memory_space<vmem>>, %arg13: memref<64x128xf32, #tpu.memory_space<vmem>>, %arg14: memref<64x128xf32, #tpu.memory_space<vmem>>, %arg15: memref<!tpu.dma_semaphore, #tpu.memory_space<semaphore_mem>>, %arg16: memref<!tpu.dma_semaphore, #tpu.memory_space<semaphore_mem>>, %arg17: memref<!tpu.dma_semaphore, #tpu.memory_space<semaphore_mem>>, %arg18: memref<!tpu.dma_semaphore, #tpu.memory_space<semaphore_mem>>, %arg19: memref<!tpu.dma_semaphore, #tpu.memory_space<semaphore_mem>>, %arg20: memref<!tpu.dma_semaphore, #tpu.memory_space<semaphore_mem>>, %arg21: memref<!tpu.dma_semaphore, #tpu.memory_space<semaphore_mem>>, %arg22: memref<!tpu.dma_semaphore, #tpu.memory_space<semaphore_mem>>) attributes {dimension_semantics = [#tpu.dimension_semantics<core_parallel>, #tpu.dimension_semantics<subcore_parallel>], iteration_bounds = array<i64: 2, 16>, scalar_prefetch = 0 : i64, scratch_operands = 15 : i64, tpu.core_type = #tpu.core_type<sc_vector_subcore>, window_params = [{transform_indices = #map}, {transform_indices = #map}, {transform_indices = #map}, {transform_indices = #map}, {transform_indices = #map}, {transform_indices = #map}]} {
    %mul3A = arith.constant 2 : i32
    %mul3A_0 = arith.muli %arg1, %mul3A : i32
    %add3A = arith.addi %mul3A_0, %arg0 : i32
    %mul3A_1 = arith.constant 632 : i32
    %mul3A_2 = arith.muli %arg1, %mul3A_1 : i32
    "tpu.region"() ({
      %run_scoped3A = tpu.sem_alloc : memref<!tpu.dma_semaphore, #tpu.memory_space<semaphore_mem>>
      %dma_start3A = arith.constant 0 : i32
      %dma_start3A_163 = tpu.memref_slice %arg8[%mul3A_2, %dma_start3A] : memref<10112x128xf32, #tpu.memory_space<vmem_shared>> -> memref<632x128xf32, #tpu.memory_space<vmem_shared>>
      %dma_start3A_164 = arith.constant 0 : i32
      %dma_start3A_165 = tpu.memref_slice %arg5[%mul3A_2, %dma_start3A_164] : memref<10112x128xf32, #tpu.memory_space<hbm>> -> memref<632x128xf32, #tpu.memory_space<hbm>>
      tpu.enqueue_dma source(%dma_start3A_165 : memref<632x128xf32, #tpu.memory_space<hbm>>) target(%dma_start3A_163 : memref<632x128xf32, #tpu.memory_space<vmem_shared>>) target_semaphore(%run_scoped3A : memref<!tpu.dma_semaphore, #tpu.memory_space<semaphore_mem>>)
      %dma_wait3A_166 = arith.constant 0 : i32
      %dma_wait3A_167 = tpu.memref_slice %arg8[%mul3A_2, %dma_wait3A_166] : memref<10112x128xf32, #tpu.memory_space<vmem_shared>> -> memref<632x128xf32, #tpu.memory_space<vmem_shared>>
      %dma_wait3A_168 = arith.constant 0 : i32
      %dma_wait3A_169 = tpu.memref_slice %arg5[%mul3A_2, %dma_wait3A_168] : memref<10112x128xf32, #tpu.memory_space<hbm>> -> memref<632x128xf32, #tpu.memory_space<hbm>>
      tpu.wait_dma2 semaphore(%run_scoped3A : memref<!tpu.dma_semaphore, #tpu.memory_space<semaphore_mem>>) src(%dma_wait3A_169 : memref<632x128xf32, #tpu.memory_space<hbm>>) dst(%dma_wait3A_167 : memref<632x128xf32, #tpu.memory_space<vmem_shared>>)
      tpu.yield
    }) : () -> ()
    %barrier3A = arith.constant 0 : index
    tpu.barrier barrier_id(%barrier3A)
    %mul3A_3 = arith.constant 160 : i32
    %mul3A_4 = arith.muli %add3A, %mul3A_3 : i32
    %add3A_5 = arith.constant 0 : i32
    %add3A_6 = arith.addi %mul3A_4, %add3A_5 : i32
    "tpu.region"() ({
      %run_scoped3A = tpu.sem_alloc : memref<!tpu.dma_semaphore, #tpu.memory_space<semaphore_mem>>
      %dma_start3A = arith.constant 0 : i32
      %dma_start3A_163 = tpu.memref_slice %arg3[%add3A_6, %dma_start3A] : memref<5120x64xi32, #tpu.memory_space<hbm>> -> memref<40x64xi32, #tpu.memory_space<hbm>>
      %dma_start3A_164 = arith.constant 0 : i32
      %dma_start3A_165 = tpu.memref_slice %arg3[%add3A_6, %dma_start3A_164] : memref<5120x64xi32, #tpu.memory_space<hbm>> -> memref<40x64xi32, #tpu.memory_space<hbm>>
      tpu.enqueue_dma source(%dma_start3A_165 : memref<40x64xi32, #tpu.memory_space<hbm>>) target(%arg9 : memref<40x64xi32, #tpu.memory_space<vmem>>) target_semaphore(%run_scoped3A : memref<!tpu.dma_semaphore, #tpu.memory_space<semaphore_mem>>)
      %dma_wait3A_166 = arith.constant 0 : i32
      %dma_wait3A_167 = tpu.memref_slice %arg3[%add3A_6, %dma_wait3A_166] : memref<5120x64xi32, #tpu.memory_space<hbm>> -> memref<40x64xi32, #tpu.memory_space<hbm>>
      %dma_wait3A_168 = arith.constant 0 : i32
      %dma_wait3A_169 = tpu.memref_slice %arg3[%add3A_6, %dma_wait3A_168] : memref<5120x64xi32, #tpu.memory_space<hbm>> -> memref<40x64xi32, #tpu.memory_space<hbm>>
      tpu.wait_dma2 semaphore(%run_scoped3A : memref<!tpu.dma_semaphore, #tpu.memory_space<semaphore_mem>>) src(%dma_wait3A_169 : memref<40x64xi32, #tpu.memory_space<hbm>>) dst(%arg9 : memref<40x64xi32, #tpu.memory_space<vmem>>)
      tpu.yield
    }) : () -> ()
    %add3A_7 = arith.constant 0 : i32
    %add3A_8 = arith.addi %mul3A_4, %add3A_7 : i32
    "tpu.region"() ({
      %run_scoped3A = tpu.sem_alloc : memref<!tpu.dma_semaphore, #tpu.memory_space<semaphore_mem>>
      %dma_start3A = arith.constant 0 : i32
      %dma_start3A_163 = tpu.memref_slice %arg4[%add3A_8, %dma_start3A] : memref<5120x64xi32, #tpu.memory_space<hbm>> -> memref<40x64xi32, #tpu.memory_space<hbm>>
      %dma_start3A_164 = arith.constant 0 : i32
      %dma_start3A_165 = tpu.memref_slice %arg4[%add3A_8, %dma_start3A_164] : memref<5120x64xi32, #tpu.memory_space<hbm>> -> memref<40x64xi32, #tpu.memory_space<hbm>>
      tpu.enqueue_dma source(%dma_start3A_165 : memref<40x64xi32, #tpu.memory_space<hbm>>) target(%arg10 : memref<40x64xi32, #tpu.memory_space<vmem>>) target_semaphore(%run_scoped3A : memref<!tpu.dma_semaphore, #tpu.memory_space<semaphore_mem>>)
      %dma_wait3A_166 = arith.constant 0 : i32
      %dma_wait3A_167 = tpu.memref_slice %arg4[%add3A_8, %dma_wait3A_166] : memref<5120x64xi32, #tpu.memory_space<hbm>> -> memref<40x64xi32, #tpu.memory_space<hbm>>
      %dma_wait3A_168 = arith.constant 0 : i32
      %dma_wait3A_169 = tpu.memref_slice %arg4[%add3A_8, %dma_wait3A_168] : memref<5120x64xi32, #tpu.memory_space<hbm>> -> memref<40x64xi32, #tpu.memory_space<hbm>>
      tpu.wait_dma2 semaphore(%run_scoped3A : memref<!tpu.dma_semaphore, #tpu.memory_space<semaphore_mem>>) src(%dma_wait3A_169 : memref<40x64xi32, #tpu.memory_space<hbm>>) dst(%arg10 : memref<40x64xi32, #tpu.memory_space<vmem>>)
      tpu.yield
    }) : () -> ()
    %scan3A = arith.constant 0 : i32
    %scan3A_9 = arith.constant 0 : i32
    %scan3A_10 = arith.constant 10 : i32
    %scan3A_11 = arith.addi %scan3A_9, %scan3A_10 : i32
    %scan3A_12 = arith.constant 1 : i32
    scf.for %scan3A_163 = %scan3A_9 to %scan3A_11 step %scan3A_12  : i32 {
      %mul3A_164 = arith.constant 4 : i32
      %mul3A_165 = arith.muli %scan3A_163, %mul3A_164 : i32
      %gt3A = arith.constant 0 : i32
      %gt3A_166 = arith.cmpi sgt, %scan3A_163, %gt3A : i32
      %convert_element_type3A_167 = arith.extui %gt3A_166 : i1 to i32
      %cond3A_168 = arith.constant 0 : i32
      %cond3A_169 = arith.cmpi ne, %convert_element_type3A_167, %cond3A_168 : i32
      scf.if %cond3A_169 {
        %add3A_280 = arith.constant 0 : i32
        %add3A_281 = arith.addi %mul3A_165, %add3A_280 : i32
        %sub3A = arith.constant 4 : i32
        %sub3A_282 = arith.subi %add3A_281, %sub3A : i32
        %dma_wait3A_283 = arith.constant 0 : i32
        %dma_wait3A_284 = tpu.memref_slice %arg10[%sub3A_282, %dma_wait3A_283] : memref<40x64xi32, #tpu.memory_space<vmem>> -> memref<1x64xi32, #tpu.memory_space<vmem>>
        %dma_wait3A_285 = tpu.memref_squeeze %dma_wait3A_284 : memref<1x64xi32, #tpu.memory_space<vmem>> -> memref<64xi32, #tpu.memory_space<vmem>>
        %dma_wait3A_286 = arith.constant 0 : i32
        %dma_wait3A_287 = arith.constant 0 : i32
        %dma_wait3A_288 = tpu.memref_slice %arg8[%dma_wait3A_286, %dma_wait3A_287] : memref<10112x128xf32, #tpu.memory_space<vmem_shared>> -> memref<10112x128xf32, #tpu.memory_space<vmem_shared>>
        tpu.wait_indirect_dma semaphore(%arg19 : memref<!tpu.dma_semaphore, #tpu.memory_space<semaphore_mem>>) src(%arg11 : memref<64x128xf32, #tpu.memory_space<vmem>>) dst(%dma_wait3A_288 : memref<10112x128xf32, #tpu.memory_space<vmem_shared>>)
      } else {
      }
      %add3A_170 = arith.constant 0 : i32
      %add3A_171 = arith.addi %mul3A_165, %add3A_170 : i32
      %dma_start3A = arith.constant 0 : i32
      %dma_start3A_172 = tpu.memref_slice %arg9[%add3A_171, %dma_start3A] : memref<40x64xi32, #tpu.memory_space<vmem>> -> memref<1x64xi32, #tpu.memory_space<vmem>>
      %dma_start3A_173 = tpu.memref_squeeze %dma_start3A_172 : memref<1x64xi32, #tpu.memory_space<vmem>> -> memref<64xi32, #tpu.memory_space<vmem>>
      %dma_start3A_174 = arith.constant 0 : i32
      %dma_start3A_175 = arith.constant 0 : i32
      %dma_start3A_176 = tpu.memref_slice %arg2[%dma_start3A_174, %dma_start3A_175] : memref<10000x128xf32, #tpu.memory_space<hbm>> -> memref<10000x128xf32, #tpu.memory_space<hbm>>
      tpu.enqueue_indirect_dma source(%dma_start3A_176 : memref<10000x128xf32, #tpu.memory_space<hbm>>) target(%arg11 : memref<64x128xf32, #tpu.memory_space<vmem>>) offsets(%dma_start3A_173 : memref<64xi32, #tpu.memory_space<vmem>>) semaphore(%arg15 : memref<!tpu.dma_semaphore, #tpu.memory_space<semaphore_mem>>)
      %gt3A_177 = arith.constant 0 : i32
      %gt3A_178 = arith.cmpi sgt, %scan3A_163, %gt3A_177 : i32
      %convert_element_type3A_179 = arith.extui %gt3A_178 : i1 to i32
      %cond3A_180 = arith.constant 0 : i32
      %cond3A_181 = arith.cmpi ne, %convert_element_type3A_179, %cond3A_180 : i32
      scf.if %cond3A_181 {
        %add3A_280 = arith.constant 1 : i32
        %add3A_281 = arith.addi %mul3A_165, %add3A_280 : i32
        %sub3A = arith.constant 4 : i32
        %sub3A_282 = arith.subi %add3A_281, %sub3A : i32
        %dma_wait3A_283 = arith.constant 0 : i32
        %dma_wait3A_284 = tpu.memref_slice %arg10[%sub3A_282, %dma_wait3A_283] : memref<40x64xi32, #tpu.memory_space<vmem>> -> memref<1x64xi32, #tpu.memory_space<vmem>>
        %dma_wait3A_285 = tpu.memref_squeeze %dma_wait3A_284 : memref<1x64xi32, #tpu.memory_space<vmem>> -> memref<64xi32, #tpu.memory_space<vmem>>
        %dma_wait3A_286 = arith.constant 0 : i32
        %dma_wait3A_287 = arith.constant 0 : i32
        %dma_wait3A_288 = tpu.memref_slice %arg8[%dma_wait3A_286, %dma_wait3A_287] : memref<10112x128xf32, #tpu.memory_space<vmem_shared>> -> memref<10112x128xf32, #tpu.memory_space<vmem_shared>>
        tpu.wait_indirect_dma semaphore(%arg20 : memref<!tpu.dma_semaphore, #tpu.memory_space<semaphore_mem>>) src(%arg12 : memref<64x128xf32, #tpu.memory_space<vmem>>) dst(%dma_wait3A_288 : memref<10112x128xf32, #tpu.memory_space<vmem_shared>>)
      } else {
      }
      %add3A_182 = arith.constant 1 : i32
      %add3A_183 = arith.addi %mul3A_165, %add3A_182 : i32
      %dma_start3A_184 = arith.constant 0 : i32
      %dma_start3A_185 = tpu.memref_slice %arg9[%add3A_183, %dma_start3A_184] : memref<40x64xi32, #tpu.memory_space<vmem>> -> memref<1x64xi32, #tpu.memory_space<vmem>>
      %dma_start3A_186 = tpu.memref_squeeze %dma_start3A_185 : memref<1x64xi32, #tpu.memory_space<vmem>> -> memref<64xi32, #tpu.memory_space<vmem>>
      %dma_start3A_187 = arith.constant 0 : i32
      %dma_start3A_188 = arith.constant 0 : i32
      %dma_start3A_189 = tpu.memref_slice %arg2[%dma_start3A_187, %dma_start3A_188] : memref<10000x128xf32, #tpu.memory_space<hbm>> -> memref<10000x128xf32, #tpu.memory_space<hbm>>
      tpu.enqueue_indirect_dma source(%dma_start3A_189 : memref<10000x128xf32, #tpu.memory_space<hbm>>) target(%arg12 : memref<64x128xf32, #tpu.memory_space<vmem>>) offsets(%dma_start3A_186 : memref<64xi32, #tpu.memory_space<vmem>>) semaphore(%arg16 : memref<!tpu.dma_semaphore, #tpu.memory_space<semaphore_mem>>)
      %gt3A_190 = arith.constant 0 : i32
      %gt3A_191 = arith.cmpi sgt, %scan3A_163, %gt3A_190 : i32
      %convert_element_type3A_192 = arith.extui %gt3A_191 : i1 to i32
      %cond3A_193 = arith.constant 0 : i32
      %cond3A_194 = arith.cmpi ne, %convert_element_type3A_192, %cond3A_193 : i32
      scf.if %cond3A_194 {
        %add3A_280 = arith.constant 2 : i32
        %add3A_281 = arith.addi %mul3A_165, %add3A_280 : i32
        %sub3A = arith.constant 4 : i32
        %sub3A_282 = arith.subi %add3A_281, %sub3A : i32
        %dma_wait3A_283 = arith.constant 0 : i32
        %dma_wait3A_284 = tpu.memref_slice %arg10[%sub3A_282, %dma_wait3A_283] : memref<40x64xi32, #tpu.memory_space<vmem>> -> memref<1x64xi32, #tpu.memory_space<vmem>>
        %dma_wait3A_285 = tpu.memref_squeeze %dma_wait3A_284 : memref<1x64xi32, #tpu.memory_space<vmem>> -> memref<64xi32, #tpu.memory_space<vmem>>
        %dma_wait3A_286 = arith.constant 0 : i32
        %dma_wait3A_287 = arith.constant 0 : i32
        %dma_wait3A_288 = tpu.memref_slice %arg8[%dma_wait3A_286, %dma_wait3A_287] : memref<10112x128xf32, #tpu.memory_space<vmem_shared>> -> memref<10112x128xf32, #tpu.memory_space<vmem_shared>>
        tpu.wait_indirect_dma semaphore(%arg21 : memref<!tpu.dma_semaphore, #tpu.memory_space<semaphore_mem>>) src(%arg13 : memref<64x128xf32, #tpu.memory_space<vmem>>) dst(%dma_wait3A_288 : memref<10112x128xf32, #tpu.memory_space<vmem_shared>>)
      } else {
      }
      %add3A_195 = arith.constant 2 : i32
      %add3A_196 = arith.addi %mul3A_165, %add3A_195 : i32
      %dma_start3A_197 = arith.constant 0 : i32
      %dma_start3A_198 = tpu.memref_slice %arg9[%add3A_196, %dma_start3A_197] : memref<40x64xi32, #tpu.memory_space<vmem>> -> memref<1x64xi32, #tpu.memory_space<vmem>>
      %dma_start3A_199 = tpu.memref_squeeze %dma_start3A_198 : memref<1x64xi32, #tpu.memory_space<vmem>> -> memref<64xi32, #tpu.memory_space<vmem>>
      %dma_start3A_200 = arith.constant 0 : i32
      %dma_start3A_201 = arith.constant 0 : i32
      %dma_start3A_202 = tpu.memref_slice %arg2[%dma_start3A_200, %dma_start3A_201] : memref<10000x128xf32, #tpu.memory_space<hbm>> -> memref<10000x128xf32, #tpu.memory_space<hbm>>
      tpu.enqueue_indirect_dma source(%dma_start3A_202 : memref<10000x128xf32, #tpu.memory_space<hbm>>) target(%arg13 : memref<64x128xf32, #tpu.memory_space<vmem>>) offsets(%dma_start3A_199 : memref<64xi32, #tpu.memory_space<vmem>>) semaphore(%arg17 : memref<!tpu.dma_semaphore, #tpu.memory_space<semaphore_mem>>)
      %gt3A_203 = arith.constant 0 : i32
      %gt3A_204 = arith.cmpi sgt, %scan3A_163, %gt3A_203 : i32
      %convert_element_type3A_205 = arith.extui %gt3A_204 : i1 to i32
      %cond3A_206 = arith.constant 0 : i32
      %cond3A_207 = arith.cmpi ne, %convert_element_type3A_205, %cond3A_206 : i32
      scf.if %cond3A_207 {
        %add3A_280 = arith.constant 3 : i32
        %add3A_281 = arith.addi %mul3A_165, %add3A_280 : i32
        %sub3A = arith.constant 4 : i32
        %sub3A_282 = arith.subi %add3A_281, %sub3A : i32
        %dma_wait3A_283 = arith.constant 0 : i32
        %dma_wait3A_284 = tpu.memref_slice %arg10[%sub3A_282, %dma_wait3A_283] : memref<40x64xi32, #tpu.memory_space<vmem>> -> memref<1x64xi32, #tpu.memory_space<vmem>>
        %dma_wait3A_285 = tpu.memref_squeeze %dma_wait3A_284 : memref<1x64xi32, #tpu.memory_space<vmem>> -> memref<64xi32, #tpu.memory_space<vmem>>
        %dma_wait3A_286 = arith.constant 0 : i32
        %dma_wait3A_287 = arith.constant 0 : i32
        %dma_wait3A_288 = tpu.memref_slice %arg8[%dma_wait3A_286, %dma_wait3A_287] : memref<10112x128xf32, #tpu.memory_space<vmem_shared>> -> memref<10112x128xf32, #tpu.memory_space<vmem_shared>>
        tpu.wait_indirect_dma semaphore(%arg22 : memref<!tpu.dma_semaphore, #tpu.memory_space<semaphore_mem>>) src(%arg14 : memref<64x128xf32, #tpu.memory_space<vmem>>) dst(%dma_wait3A_288 : memref<10112x128xf32, #tpu.memory_space<vmem_shared>>)
      } else {
      }
      %add3A_208 = arith.constant 3 : i32
      %add3A_209 = arith.addi %mul3A_165, %add3A_208 : i32
      %dma_start3A_210 = arith.constant 0 : i32
      %dma_start3A_211 = tpu.memref_slice %arg9[%add3A_209, %dma_start3A_210] : memref<40x64xi32, #tpu.memory_space<vmem>> -> memref<1x64xi32, #tpu.memory_space<vmem>>
      %dma_start3A_212 = tpu.memref_squeeze %dma_start3A_211 : memref<1x64xi32, #tpu.memory_space<vmem>> -> memref<64xi32, #tpu.memory_space<vmem>>
      %dma_start3A_213 = arith.constant 0 : i32
      %dma_start3A_214 = arith.constant 0 : i32
      %dma_start3A_215 = tpu.memref_slice %arg2[%dma_start3A_213, %dma_start3A_214] : memref<10000x128xf32, #tpu.memory_space<hbm>> -> memref<10000x128xf32, #tpu.memory_space<hbm>>
      tpu.enqueue_indirect_dma source(%dma_start3A_215 : memref<10000x128xf32, #tpu.memory_space<hbm>>) target(%arg14 : memref<64x128xf32, #tpu.memory_space<vmem>>) offsets(%dma_start3A_212 : memref<64xi32, #tpu.memory_space<vmem>>) semaphore(%arg18 : memref<!tpu.dma_semaphore, #tpu.memory_space<semaphore_mem>>)
      %add3A_216 = arith.constant 0 : i32
      %add3A_217 = arith.addi %mul3A_165, %add3A_216 : i32
      %dma_wait3A_218 = arith.constant 0 : i32
      %dma_wait3A_219 = tpu.memref_slice %arg9[%add3A_217, %dma_wait3A_218] : memref<40x64xi32, #tpu.memory_space<vmem>> -> memref<1x64xi32, #tpu.memory_space<vmem>>
      %dma_wait3A_220 = tpu.memref_squeeze %dma_wait3A_219 : memref<1x64xi32, #tpu.memory_space<vmem>> -> memref<64xi32, #tpu.memory_space<vmem>>
      %dma_wait3A_221 = arith.constant 0 : i32
      %dma_wait3A_222 = arith.constant 0 : i32
      %dma_wait3A_223 = tpu.memref_slice %arg2[%dma_wait3A_221, %dma_wait3A_222] : memref<10000x128xf32, #tpu.memory_space<hbm>> -> memref<10000x128xf32, #tpu.memory_space<hbm>>
      tpu.wait_indirect_dma semaphore(%arg15 : memref<!tpu.dma_semaphore, #tpu.memory_space<semaphore_mem>>) src(%dma_wait3A_223 : memref<10000x128xf32, #tpu.memory_space<hbm>>) dst(%arg11 : memref<64x128xf32, #tpu.memory_space<vmem>>)
      %add3A_224 = arith.constant 0 : i32
      %add3A_225 = arith.addi %mul3A_165, %add3A_224 : i32
      %dma_start3A_226 = arith.constant 0 : i32
      %dma_start3A_227 = tpu.memref_slice %arg10[%add3A_225, %dma_start3A_226] : memref<40x64xi32, #tpu.memory_space<vmem>> -> memref<1x64xi32, #tpu.memory_space<vmem>>
      %dma_start3A_228 = tpu.memref_squeeze %dma_start3A_227 : memref<1x64xi32, #tpu.memory_space<vmem>> -> memref<64xi32, #tpu.memory_space<vmem>>
      %dma_start3A_229 = arith.constant 0 : i32
      %dma_start3A_230 = arith.constant 0 : i32
      %dma_start3A_231 = tpu.memref_slice %arg8[%dma_start3A_229, %dma_start3A_230] : memref<10112x128xf32, #tpu.memory_space<vmem_shared>> -> memref<10112x128xf32, #tpu.memory_space<vmem_shared>>
      tpu.enqueue_indirect_dma source(%arg11 : memref<64x128xf32, #tpu.memory_space<vmem>>) target(%dma_start3A_231 : memref<10112x128xf32, #tpu.memory_space<vmem_shared>>) offsets(%dma_start3A_228 : memref<64xi32, #tpu.memory_space<vmem>>) semaphore(%arg19 : memref<!tpu.dma_semaphore, #tpu.memory_space<semaphore_mem>>) {add = true}
      %add3A_232 = arith.constant 1 : i32
      %add3A_233 = arith.addi %mul3A_165, %add3A_232 : i32
      %dma_wait3A_234 = arith.constant 0 : i32
      %dma_wait3A_235 = tpu.memref_slice %arg9[%add3A_233, %dma_wait3A_234] : memref<40x64xi32, #tpu.memory_space<vmem>> -> memref<1x64xi32, #tpu.memory_space<vmem>>
      %dma_wait3A_236 = tpu.memref_squeeze %dma_wait3A_235 : memref<1x64xi32, #tpu.memory_space<vmem>> -> memref<64xi32, #tpu.memory_space<vmem>>
      %dma_wait3A_237 = arith.constant 0 : i32
      %dma_wait3A_238 = arith.constant 0 : i32
      %dma_wait3A_239 = tpu.memref_slice %arg2[%dma_wait3A_237, %dma_wait3A_238] : memref<10000x128xf32, #tpu.memory_space<hbm>> -> memref<10000x128xf32, #tpu.memory_space<hbm>>
      tpu.wait_indirect_dma semaphore(%arg16 : memref<!tpu.dma_semaphore, #tpu.memory_space<semaphore_mem>>) src(%dma_wait3A_239 : memref<10000x128xf32, #tpu.memory_space<hbm>>) dst(%arg12 : memref<64x128xf32, #tpu.memory_space<vmem>>)
      %add3A_240 = arith.constant 1 : i32
      %add3A_241 = arith.addi %mul3A_165, %add3A_240 : i32
      %dma_start3A_242 = arith.constant 0 : i32
      %dma_start3A_243 = tpu.memref_slice %arg10[%add3A_241, %dma_start3A_242] : memref<40x64xi32, #tpu.memory_space<vmem>> -> memref<1x64xi32, #tpu.memory_space<vmem>>
      %dma_start3A_244 = tpu.memref_squeeze %dma_start3A_243 : memref<1x64xi32, #tpu.memory_space<vmem>> -> memref<64xi32, #tpu.memory_space<vmem>>
      %dma_start3A_245 = arith.constant 0 : i32
      %dma_start3A_246 = arith.constant 0 : i32
      %dma_start3A_247 = tpu.memref_slice %arg8[%dma_start3A_245, %dma_start3A_246] : memref<10112x128xf32, #tpu.memory_space<vmem_shared>> -> memref<10112x128xf32, #tpu.memory_space<vmem_shared>>
      tpu.enqueue_indirect_dma source(%arg12 : memref<64x128xf32, #tpu.memory_space<vmem>>) target(%dma_start3A_247 : memref<10112x128xf32, #tpu.memory_space<vmem_shared>>) offsets(%dma_start3A_244 : memref<64xi32, #tpu.memory_space<vmem>>) semaphore(%arg20 : memref<!tpu.dma_semaphore, #tpu.memory_space<semaphore_mem>>) {add = true}
      %add3A_248 = arith.constant 2 : i32
      %add3A_249 = arith.addi %mul3A_165, %add3A_248 : i32
      %dma_wait3A_250 = arith.constant 0 : i32
      %dma_wait3A_251 = tpu.memref_slice %arg9[%add3A_249, %dma_wait3A_250] : memref<40x64xi32, #tpu.memory_space<vmem>> -> memref<1x64xi32, #tpu.memory_space<vmem>>
      %dma_wait3A_252 = tpu.memref_squeeze %dma_wait3A_251 : memref<1x64xi32, #tpu.memory_space<vmem>> -> memref<64xi32, #tpu.memory_space<vmem>>
      %dma_wait3A_253 = arith.constant 0 : i32
      %dma_wait3A_254 = arith.constant 0 : i32
      %dma_wait3A_255 = tpu.memref_slice %arg2[%dma_wait3A_253, %dma_wait3A_254] : memref<10000x128xf32, #tpu.memory_space<hbm>> -> memref<10000x128xf32, #tpu.memory_space<hbm>>
      tpu.wait_indirect_dma semaphore(%arg17 : memref<!tpu.dma_semaphore, #tpu.memory_space<semaphore_mem>>) src(%dma_wait3A_255 : memref<10000x128xf32, #tpu.memory_space<hbm>>) dst(%arg13 : memref<64x128xf32, #tpu.memory_space<vmem>>)
      %add3A_256 = arith.constant 2 : i32
      %add3A_257 = arith.addi %mul3A_165, %add3A_256 : i32
      %dma_start3A_258 = arith.constant 0 : i32
      %dma_start3A_259 = tpu.memref_slice %arg10[%add3A_257, %dma_start3A_258] : memref<40x64xi32, #tpu.memory_space<vmem>> -> memref<1x64xi32, #tpu.memory_space<vmem>>
      %dma_start3A_260 = tpu.memref_squeeze %dma_start3A_259 : memref<1x64xi32, #tpu.memory_space<vmem>> -> memref<64xi32, #tpu.memory_space<vmem>>
      %dma_start3A_261 = arith.constant 0 : i32
      %dma_start3A_262 = arith.constant 0 : i32
      %dma_start3A_263 = tpu.memref_slice %arg8[%dma_start3A_261, %dma_start3A_262] : memref<10112x128xf32, #tpu.memory_space<vmem_shared>> -> memref<10112x128xf32, #tpu.memory_space<vmem_shared>>
      tpu.enqueue_indirect_dma source(%arg13 : memref<64x128xf32, #tpu.memory_space<vmem>>) target(%dma_start3A_263 : memref<10112x128xf32, #tpu.memory_space<vmem_shared>>) offsets(%dma_start3A_260 : memref<64xi32, #tpu.memory_space<vmem>>) semaphore(%arg21 : memref<!tpu.dma_semaphore, #tpu.memory_space<semaphore_mem>>) {add = true}
      %add3A_264 = arith.constant 3 : i32
      %add3A_265 = arith.addi %mul3A_165, %add3A_264 : i32
      %dma_wait3A_266 = arith.constant 0 : i32
      %dma_wait3A_267 = tpu.memref_slice %arg9[%add3A_265, %dma_wait3A_266] : memref<40x64xi32, #tpu.memory_space<vmem>> -> memref<1x64xi32, #tpu.memory_space<vmem>>
      %dma_wait3A_268 = tpu.memref_squeeze %dma_wait3A_267 : memref<1x64xi32, #tpu.memory_space<vmem>> -> memref<64xi32, #tpu.memory_space<vmem>>
      %dma_wait3A_269 = arith.constant 0 : i32
      %dma_wait3A_270 = arith.constant 0 : i32
      %dma_wait3A_271 = tpu.memref_slice %arg2[%dma_wait3A_269, %dma_wait3A_270] : memref<10000x128xf32, #tpu.memory_space<hbm>> -> memref<10000x128xf32, #tpu.memory_space<hbm>>
      tpu.wait_indirect_dma semaphore(%arg18 : memref<!tpu.dma_semaphore, #tpu.memory_space<semaphore_mem>>) src(%dma_wait3A_271 : memref<10000x128xf32, #tpu.memory_space<hbm>>) dst(%arg14 : memref<64x128xf32, #tpu.memory_space<vmem>>)
      %add3A_272 = arith.constant 3 : i32
      %add3A_273 = arith.addi %mul3A_165, %add3A_272 : i32
      %dma_start3A_274 = arith.constant 0 : i32
      %dma_start3A_275 = tpu.memref_slice %arg10[%add3A_273, %dma_start3A_274] : memref<40x64xi32, #tpu.memory_space<vmem>> -> memref<1x64xi32, #tpu.memory_space<vmem>>
      %dma_start3A_276 = tpu.memref_squeeze %dma_start3A_275 : memref<1x64xi32, #tpu.memory_space<vmem>> -> memref<64xi32, #tpu.memory_space<vmem>>
      %dma_start3A_277 = arith.constant 0 : i32
      %dma_start3A_278 = arith.constant 0 : i32
      %dma_start3A_279 = tpu.memref_slice %arg8[%dma_start3A_277, %dma_start3A_278] : memref<10112x128xf32, #tpu.memory_space<vmem_shared>> -> memref<10112x128xf32, #tpu.memory_space<vmem_shared>>
      tpu.enqueue_indirect_dma source(%arg14 : memref<64x128xf32, #tpu.memory_space<vmem>>) target(%dma_start3A_279 : memref<10112x128xf32, #tpu.memory_space<vmem_shared>>) offsets(%dma_start3A_276 : memref<64xi32, #tpu.memory_space<vmem>>) semaphore(%arg22 : memref<!tpu.dma_semaphore, #tpu.memory_space<semaphore_mem>>) {add = true}
    }
    %scan3A_13 = arith.constant 10 : i32
    %dma_wait3A = arith.constant 36 : i32
    %dma_wait3A_14 = arith.constant 0 : i32
    %dma_wait3A_15 = tpu.memref_slice %arg10[%dma_wait3A, %dma_wait3A_14] : memref<40x64xi32, #tpu.memory_space<vmem>> -> memref<1x64xi32, #tpu.memory_space<vmem>>
    %dma_wait3A_16 = tpu.memref_squeeze %dma_wait3A_15 : memref<1x64xi32, #tpu.memory_space<vmem>> -> memref<64xi32, #tpu.memory_space<vmem>>
    %dma_wait3A_17 = arith.constant 0 : i32
    %dma_wait3A_18 = arith.constant 0 : i32
    %dma_wait3A_19 = tpu.memref_slice %arg8[%dma_wait3A_17, %dma_wait3A_18] : memref<10112x128xf32, #tpu.memory_space<vmem_shared>> -> memref<10112x128xf32, #tpu.memory_space<vmem_shared>>
    tpu.wait_indirect_dma semaphore(%arg19 : memref<!tpu.dma_semaphore, #tpu.memory_space<semaphore_mem>>) src(%arg11 : memref<64x128xf32, #tpu.memory_space<vmem>>) dst(%dma_wait3A_19 : memref<10112x128xf32, #tpu.memory_space<vmem_shared>>)
    %dma_wait3A_20 = arith.constant 37 : i32
    %dma_wait3A_21 = arith.constant 0 : i32
    %dma_wait3A_22 = tpu.memref_slice %arg10[%dma_wait3A_20, %dma_wait3A_21] : memref<40x64xi32, #tpu.memory_space<vmem>> -> memref<1x64xi32, #tpu.memory_space<vmem>>
    %dma_wait3A_23 = tpu.memref_squeeze %dma_wait3A_22 : memref<1x64xi32, #tpu.memory_space<vmem>> -> memref<64xi32, #tpu.memory_space<vmem>>
    %dma_wait3A_24 = arith.constant 0 : i32
    %dma_wait3A_25 = arith.constant 0 : i32
    %dma_wait3A_26 = tpu.memref_slice %arg8[%dma_wait3A_24, %dma_wait3A_25] : memref<10112x128xf32, #tpu.memory_space<vmem_shared>> -> memref<10112x128xf32, #tpu.memory_space<vmem_shared>>
    tpu.wait_indirect_dma semaphore(%arg20 : memref<!tpu.dma_semaphore, #tpu.memory_space<semaphore_mem>>) src(%arg12 : memref<64x128xf32, #tpu.memory_space<vmem>>) dst(%dma_wait3A_26 : memref<10112x128xf32, #tpu.memory_space<vmem_shared>>)
    %dma_wait3A_27 = arith.constant 38 : i32
    %dma_wait3A_28 = arith.constant 0 : i32
    %dma_wait3A_29 = tpu.memref_slice %arg10[%dma_wait3A_27, %dma_wait3A_28] : memref<40x64xi32, #tpu.memory_space<vmem>> -> memref<1x64xi32, #tpu.memory_space<vmem>>
    %dma_wait3A_30 = tpu.memref_squeeze %dma_wait3A_29 : memref<1x64xi32, #tpu.memory_space<vmem>> -> memref<64xi32, #tpu.memory_space<vmem>>
    %dma_wait3A_31 = arith.constant 0 : i32
    %dma_wait3A_32 = arith.constant 0 : i32
    %dma_wait3A_33 = tpu.memref_slice %arg8[%dma_wait3A_31, %dma_wait3A_32] : memref<10112x128xf32, #tpu.memory_space<vmem_shared>> -> memref<10112x128xf32, #tpu.memory_space<vmem_shared>>
    tpu.wait_indirect_dma semaphore(%arg21 : memref<!tpu.dma_semaphore, #tpu.memory_space<semaphore_mem>>) src(%arg13 : memref<64x128xf32, #tpu.memory_space<vmem>>) dst(%dma_wait3A_33 : memref<10112x128xf32, #tpu.memory_space<vmem_shared>>)
    %dma_wait3A_34 = arith.constant 39 : i32
    %dma_wait3A_35 = arith.constant 0 : i32
    %dma_wait3A_36 = tpu.memref_slice %arg10[%dma_wait3A_34, %dma_wait3A_35] : memref<40x64xi32, #tpu.memory_space<vmem>> -> memref<1x64xi32, #tpu.memory_space<vmem>>
    %dma_wait3A_37 = tpu.memref_squeeze %dma_wait3A_36 : memref<1x64xi32, #tpu.memory_space<vmem>> -> memref<64xi32, #tpu.memory_space<vmem>>
    %dma_wait3A_38 = arith.constant 0 : i32
    %dma_wait3A_39 = arith.constant 0 : i32
    %dma_wait3A_40 = tpu.memref_slice %arg8[%dma_wait3A_38, %dma_wait3A_39] : memref<10112x128xf32, #tpu.memory_space<vmem_shared>> -> memref<10112x128xf32, #tpu.memory_space<vmem_shared>>
    tpu.wait_indirect_dma semaphore(%arg22 : memref<!tpu.dma_semaphore, #tpu.memory_space<semaphore_mem>>) src(%arg14 : memref<64x128xf32, #tpu.memory_space<vmem>>) dst(%dma_wait3A_40 : memref<10112x128xf32, #tpu.memory_space<vmem_shared>>)
    %add3A_41 = arith.constant 40 : i32
    %add3A_42 = arith.addi %mul3A_4, %add3A_41 : i32
    "tpu.region"() ({
      %run_scoped3A = tpu.sem_alloc : memref<!tpu.dma_semaphore, #tpu.memory_space<semaphore_mem>>
      %dma_start3A = arith.constant 0 : i32
      %dma_start3A_163 = tpu.memref_slice %arg3[%add3A_42, %dma_start3A] : memref<5120x64xi32, #tpu.memory_space<hbm>> -> memref<40x64xi32, #tpu.memory_space<hbm>>
      %dma_start3A_164 = arith.constant 0 : i32
      %dma_start3A_165 = tpu.memref_slice %arg3[%add3A_42, %dma_start3A_164] : memref<5120x64xi32, #tpu.memory_space<hbm>> -> memref<40x64xi32, #tpu.memory_space<hbm>>
      tpu.enqueue_dma source(%dma_start3A_165 : memref<40x64xi32, #tpu.memory_space<hbm>>) target(%arg9 : memref<40x64xi32, #tpu.memory_space<vmem>>) target_semaphore(%run_scoped3A : memref<!tpu.dma_semaphore, #tpu.memory_space<semaphore_mem>>)
      %dma_wait3A_166 = arith.constant 0 : i32
      %dma_wait3A_167 = tpu.memref_slice %arg3[%add3A_42, %dma_wait3A_166] : memref<5120x64xi32, #tpu.memory_space<hbm>> -> memref<40x64xi32, #tpu.memory_space<hbm>>
      %dma_wait3A_168 = arith.constant 0 : i32
      %dma_wait3A_169 = tpu.memref_slice %arg3[%add3A_42, %dma_wait3A_168] : memref<5120x64xi32, #tpu.memory_space<hbm>> -> memref<40x64xi32, #tpu.memory_space<hbm>>
      tpu.wait_dma2 semaphore(%run_scoped3A : memref<!tpu.dma_semaphore, #tpu.memory_space<semaphore_mem>>) src(%dma_wait3A_169 : memref<40x64xi32, #tpu.memory_space<hbm>>) dst(%arg9 : memref<40x64xi32, #tpu.memory_space<vmem>>)
      tpu.yield
    }) : () -> ()
    %add3A_43 = arith.constant 40 : i32
    %add3A_44 = arith.addi %mul3A_4, %add3A_43 : i32
    "tpu.region"() ({
      %run_scoped3A = tpu.sem_alloc : memref<!tpu.dma_semaphore, #tpu.memory_space<semaphore_mem>>
      %dma_start3A = arith.constant 0 : i32
      %dma_start3A_163 = tpu.memref_slice %arg4[%add3A_44, %dma_start3A] : memref<5120x64xi32, #tpu.memory_space<hbm>> -> memref<40x64xi32, #tpu.memory_space<hbm>>
      %dma_start3A_164 = arith.constant 0 : i32
      %dma_start3A_165 = tpu.memref_slice %arg4[%add3A_44, %dma_start3A_164] : memref<5120x64xi32, #tpu.memory_space<hbm>> -> memref<40x64xi32, #tpu.memory_space<hbm>>
      tpu.enqueue_dma source(%dma_start3A_165 : memref<40x64xi32, #tpu.memory_space<hbm>>) target(%arg10 : memref<40x64xi32, #tpu.memory_space<vmem>>) target_semaphore(%run_scoped3A : memref<!tpu.dma_semaphore, #tpu.memory_space<semaphore_mem>>)
      %dma_wait3A_166 = arith.constant 0 : i32
      %dma_wait3A_167 = tpu.memref_slice %arg4[%add3A_44, %dma_wait3A_166] : memref<5120x64xi32, #tpu.memory_space<hbm>> -> memref<40x64xi32, #tpu.memory_space<hbm>>
      %dma_wait3A_168 = arith.constant 0 : i32
      %dma_wait3A_169 = tpu.memref_slice %arg4[%add3A_44, %dma_wait3A_168] : memref<5120x64xi32, #tpu.memory_space<hbm>> -> memref<40x64xi32, #tpu.memory_space<hbm>>
      tpu.wait_dma2 semaphore(%run_scoped3A : memref<!tpu.dma_semaphore, #tpu.memory_space<semaphore_mem>>) src(%dma_wait3A_169 : memref<40x64xi32, #tpu.memory_space<hbm>>) dst(%arg10 : memref<40x64xi32, #tpu.memory_space<vmem>>)
      tpu.yield
    }) : () -> ()
    %scan3A_45 = arith.constant 0 : i32
    %scan3A_46 = arith.constant 0 : i32
    %scan3A_47 = arith.constant 10 : i32
    %scan3A_48 = arith.addi %scan3A_46, %scan3A_47 : i32
    %scan3A_49 = arith.constant 1 : i32
    scf.for %scan3A_163 = %scan3A_46 to %scan3A_48 step %scan3A_49  : i32 {
      %mul3A_164 = arith.constant 4 : i32
      %mul3A_165 = arith.muli %scan3A_163, %mul3A_164 : i32
      %gt3A = arith.constant 0 : i32
      %gt3A_166 = arith.cmpi sgt, %scan3A_163, %gt3A : i32
      %convert_element_type3A_167 = arith.extui %gt3A_166 : i1 to i32
      %cond3A_168 = arith.constant 0 : i32
      %cond3A_169 = arith.cmpi ne, %convert_element_type3A_167, %cond3A_168 : i32
      scf.if %cond3A_169 {
        %add3A_280 = arith.constant 0 : i32
        %add3A_281 = arith.addi %mul3A_165, %add3A_280 : i32
        %sub3A = arith.constant 4 : i32
        %sub3A_282 = arith.subi %add3A_281, %sub3A : i32
        %dma_wait3A_283 = arith.constant 0 : i32
        %dma_wait3A_284 = tpu.memref_slice %arg10[%sub3A_282, %dma_wait3A_283] : memref<40x64xi32, #tpu.memory_space<vmem>> -> memref<1x64xi32, #tpu.memory_space<vmem>>
        %dma_wait3A_285 = tpu.memref_squeeze %dma_wait3A_284 : memref<1x64xi32, #tpu.memory_space<vmem>> -> memref<64xi32, #tpu.memory_space<vmem>>
        %dma_wait3A_286 = arith.constant 0 : i32
        %dma_wait3A_287 = arith.constant 0 : i32
        %dma_wait3A_288 = tpu.memref_slice %arg8[%dma_wait3A_286, %dma_wait3A_287] : memref<10112x128xf32, #tpu.memory_space<vmem_shared>> -> memref<10112x128xf32, #tpu.memory_space<vmem_shared>>
        tpu.wait_indirect_dma semaphore(%arg19 : memref<!tpu.dma_semaphore, #tpu.memory_space<semaphore_mem>>) src(%arg11 : memref<64x128xf32, #tpu.memory_space<vmem>>) dst(%dma_wait3A_288 : memref<10112x128xf32, #tpu.memory_space<vmem_shared>>)
      } else {
      }
      %add3A_170 = arith.constant 0 : i32
      %add3A_171 = arith.addi %mul3A_165, %add3A_170 : i32
      %dma_start3A = arith.constant 0 : i32
      %dma_start3A_172 = tpu.memref_slice %arg9[%add3A_171, %dma_start3A] : memref<40x64xi32, #tpu.memory_space<vmem>> -> memref<1x64xi32, #tpu.memory_space<vmem>>
      %dma_start3A_173 = tpu.memref_squeeze %dma_start3A_172 : memref<1x64xi32, #tpu.memory_space<vmem>> -> memref<64xi32, #tpu.memory_space<vmem>>
      %dma_start3A_174 = arith.constant 0 : i32
      %dma_start3A_175 = arith.constant 0 : i32
      %dma_start3A_176 = tpu.memref_slice %arg2[%dma_start3A_174, %dma_start3A_175] : memref<10000x128xf32, #tpu.memory_space<hbm>> -> memref<10000x128xf32, #tpu.memory_space<hbm>>
      tpu.enqueue_indirect_dma source(%dma_start3A_176 : memref<10000x128xf32, #tpu.memory_space<hbm>>) target(%arg11 : memref<64x128xf32, #tpu.memory_space<vmem>>) offsets(%dma_start3A_173 : memref<64xi32, #tpu.memory_space<vmem>>) semaphore(%arg15 : memref<!tpu.dma_semaphore, #tpu.memory_space<semaphore_mem>>)
      %gt3A_177 = arith.constant 0 : i32
      %gt3A_178 = arith.cmpi sgt, %scan3A_163, %gt3A_177 : i32
      %convert_element_type3A_179 = arith.extui %gt3A_178 : i1 to i32
      %cond3A_180 = arith.constant 0 : i32
      %cond3A_181 = arith.cmpi ne, %convert_element_type3A_179, %cond3A_180 : i32
      scf.if %cond3A_181 {
        %add3A_280 = arith.constant 1 : i32
        %add3A_281 = arith.addi %mul3A_165, %add3A_280 : i32
        %sub3A = arith.constant 4 : i32
        %sub3A_282 = arith.subi %add3A_281, %sub3A : i32
        %dma_wait3A_283 = arith.constant 0 : i32
        %dma_wait3A_284 = tpu.memref_slice %arg10[%sub3A_282, %dma_wait3A_283] : memref<40x64xi32, #tpu.memory_space<vmem>> -> memref<1x64xi32, #tpu.memory_space<vmem>>
        %dma_wait3A_285 = tpu.memref_squeeze %dma_wait3A_284 : memref<1x64xi32, #tpu.memory_space<vmem>> -> memref<64xi32, #tpu.memory_space<vmem>>
        %dma_wait3A_286 = arith.constant 0 : i32
        %dma_wait3A_287 = arith.constant 0 : i32
        %dma_wait3A_288 = tpu.memref_slice %arg8[%dma_wait3A_286, %dma_wait3A_287] : memref<10112x128xf32, #tpu.memory_space<vmem_shared>> -> memref<10112x128xf32, #tpu.memory_space<vmem_shared>>
        tpu.wait_indirect_dma semaphore(%arg20 : memref<!tpu.dma_semaphore, #tpu.memory_space<semaphore_mem>>) src(%arg12 : memref<64x128xf32, #tpu.memory_space<vmem>>) dst(%dma_wait3A_288 : memref<10112x128xf32, #tpu.memory_space<vmem_shared>>)
      } else {
      }
      %add3A_182 = arith.constant 1 : i32
      %add3A_183 = arith.addi %mul3A_165, %add3A_182 : i32
      %dma_start3A_184 = arith.constant 0 : i32
      %dma_start3A_185 = tpu.memref_slice %arg9[%add3A_183, %dma_start3A_184] : memref<40x64xi32, #tpu.memory_space<vmem>> -> memref<1x64xi32, #tpu.memory_space<vmem>>
      %dma_start3A_186 = tpu.memref_squeeze %dma_start3A_185 : memref<1x64xi32, #tpu.memory_space<vmem>> -> memref<64xi32, #tpu.memory_space<vmem>>
      %dma_start3A_187 = arith.constant 0 : i32
      %dma_start3A_188 = arith.constant 0 : i32
      %dma_start3A_189 = tpu.memref_slice %arg2[%dma_start3A_187, %dma_start3A_188] : memref<10000x128xf32, #tpu.memory_space<hbm>> -> memref<10000x128xf32, #tpu.memory_space<hbm>>
      tpu.enqueue_indirect_dma source(%dma_start3A_189 : memref<10000x128xf32, #tpu.memory_space<hbm>>) target(%arg12 : memref<64x128xf32, #tpu.memory_space<vmem>>) offsets(%dma_start3A_186 : memref<64xi32, #tpu.memory_space<vmem>>) semaphore(%arg16 : memref<!tpu.dma_semaphore, #tpu.memory_space<semaphore_mem>>)
      %gt3A_190 = arith.constant 0 : i32
      %gt3A_191 = arith.cmpi sgt, %scan3A_163, %gt3A_190 : i32
      %convert_element_type3A_192 = arith.extui %gt3A_191 : i1 to i32
      %cond3A_193 = arith.constant 0 : i32
      %cond3A_194 = arith.cmpi ne, %convert_element_type3A_192, %cond3A_193 : i32
      scf.if %cond3A_194 {
        %add3A_280 = arith.constant 2 : i32
        %add3A_281 = arith.addi %mul3A_165, %add3A_280 : i32
        %sub3A = arith.constant 4 : i32
        %sub3A_282 = arith.subi %add3A_281, %sub3A : i32
        %dma_wait3A_283 = arith.constant 0 : i32
        %dma_wait3A_284 = tpu.memref_slice %arg10[%sub3A_282, %dma_wait3A_283] : memref<40x64xi32, #tpu.memory_space<vmem>> -> memref<1x64xi32, #tpu.memory_space<vmem>>
        %dma_wait3A_285 = tpu.memref_squeeze %dma_wait3A_284 : memref<1x64xi32, #tpu.memory_space<vmem>> -> memref<64xi32, #tpu.memory_space<vmem>>
        %dma_wait3A_286 = arith.constant 0 : i32
        %dma_wait3A_287 = arith.constant 0 : i32
        %dma_wait3A_288 = tpu.memref_slice %arg8[%dma_wait3A_286, %dma_wait3A_287] : memref<10112x128xf32, #tpu.memory_space<vmem_shared>> -> memref<10112x128xf32, #tpu.memory_space<vmem_shared>>
        tpu.wait_indirect_dma semaphore(%arg21 : memref<!tpu.dma_semaphore, #tpu.memory_space<semaphore_mem>>) src(%arg13 : memref<64x128xf32, #tpu.memory_space<vmem>>) dst(%dma_wait3A_288 : memref<10112x128xf32, #tpu.memory_space<vmem_shared>>)
      } else {
      }
      %add3A_195 = arith.constant 2 : i32
      %add3A_196 = arith.addi %mul3A_165, %add3A_195 : i32
      %dma_start3A_197 = arith.constant 0 : i32
      %dma_start3A_198 = tpu.memref_slice %arg9[%add3A_196, %dma_start3A_197] : memref<40x64xi32, #tpu.memory_space<vmem>> -> memref<1x64xi32, #tpu.memory_space<vmem>>
      %dma_start3A_199 = tpu.memref_squeeze %dma_start3A_198 : memref<1x64xi32, #tpu.memory_space<vmem>> -> memref<64xi32, #tpu.memory_space<vmem>>
      %dma_start3A_200 = arith.constant 0 : i32
      %dma_start3A_201 = arith.constant 0 : i32
      %dma_start3A_202 = tpu.memref_slice %arg2[%dma_start3A_200, %dma_start3A_201] : memref<10000x128xf32, #tpu.memory_space<hbm>> -> memref<10000x128xf32, #tpu.memory_space<hbm>>
      tpu.enqueue_indirect_dma source(%dma_start3A_202 : memref<10000x128xf32, #tpu.memory_space<hbm>>) target(%arg13 : memref<64x128xf32, #tpu.memory_space<vmem>>) offsets(%dma_start3A_199 : memref<64xi32, #tpu.memory_space<vmem>>) semaphore(%arg17 : memref<!tpu.dma_semaphore, #tpu.memory_space<semaphore_mem>>)
      %gt3A_203 = arith.constant 0 : i32
      %gt3A_204 = arith.cmpi sgt, %scan3A_163, %gt3A_203 : i32
      %convert_element_type3A_205 = arith.extui %gt3A_204 : i1 to i32
      %cond3A_206 = arith.constant 0 : i32
      %cond3A_207 = arith.cmpi ne, %convert_element_type3A_205, %cond3A_206 : i32
      scf.if %cond3A_207 {
        %add3A_280 = arith.constant 3 : i32
        %add3A_281 = arith.addi %mul3A_165, %add3A_280 : i32
        %sub3A = arith.constant 4 : i32
        %sub3A_282 = arith.subi %add3A_281, %sub3A : i32
        %dma_wait3A_283 = arith.constant 0 : i32
        %dma_wait3A_284 = tpu.memref_slice %arg10[%sub3A_282, %dma_wait3A_283] : memref<40x64xi32, #tpu.memory_space<vmem>> -> memref<1x64xi32, #tpu.memory_space<vmem>>
        %dma_wait3A_285 = tpu.memref_squeeze %dma_wait3A_284 : memref<1x64xi32, #tpu.memory_space<vmem>> -> memref<64xi32, #tpu.memory_space<vmem>>
        %dma_wait3A_286 = arith.constant 0 : i32
        %dma_wait3A_287 = arith.constant 0 : i32
        %dma_wait3A_288 = tpu.memref_slice %arg8[%dma_wait3A_286, %dma_wait3A_287] : memref<10112x128xf32, #tpu.memory_space<vmem_shared>> -> memref<10112x128xf32, #tpu.memory_space<vmem_shared>>
        tpu.wait_indirect_dma semaphore(%arg22 : memref<!tpu.dma_semaphore, #tpu.memory_space<semaphore_mem>>) src(%arg14 : memref<64x128xf32, #tpu.memory_space<vmem>>) dst(%dma_wait3A_288 : memref<10112x128xf32, #tpu.memory_space<vmem_shared>>)
      } else {
      }
      %add3A_208 = arith.constant 3 : i32
      %add3A_209 = arith.addi %mul3A_165, %add3A_208 : i32
      %dma_start3A_210 = arith.constant 0 : i32
      %dma_start3A_211 = tpu.memref_slice %arg9[%add3A_209, %dma_start3A_210] : memref<40x64xi32, #tpu.memory_space<vmem>> -> memref<1x64xi32, #tpu.memory_space<vmem>>
      %dma_start3A_212 = tpu.memref_squeeze %dma_start3A_211 : memref<1x64xi32, #tpu.memory_space<vmem>> -> memref<64xi32, #tpu.memory_space<vmem>>
      %dma_start3A_213 = arith.constant 0 : i32
      %dma_start3A_214 = arith.constant 0 : i32
      %dma_start3A_215 = tpu.memref_slice %arg2[%dma_start3A_213, %dma_start3A_214] : memref<10000x128xf32, #tpu.memory_space<hbm>> -> memref<10000x128xf32, #tpu.memory_space<hbm>>
      tpu.enqueue_indirect_dma source(%dma_start3A_215 : memref<10000x128xf32, #tpu.memory_space<hbm>>) target(%arg14 : memref<64x128xf32, #tpu.memory_space<vmem>>) offsets(%dma_start3A_212 : memref<64xi32, #tpu.memory_space<vmem>>) semaphore(%arg18 : memref<!tpu.dma_semaphore, #tpu.memory_space<semaphore_mem>>)
      %add3A_216 = arith.constant 0 : i32
      %add3A_217 = arith.addi %mul3A_165, %add3A_216 : i32
      %dma_wait3A_218 = arith.constant 0 : i32
      %dma_wait3A_219 = tpu.memref_slice %arg9[%add3A_217, %dma_wait3A_218] : memref<40x64xi32, #tpu.memory_space<vmem>> -> memref<1x64xi32, #tpu.memory_space<vmem>>
      %dma_wait3A_220 = tpu.memref_squeeze %dma_wait3A_219 : memref<1x64xi32, #tpu.memory_space<vmem>> -> memref<64xi32, #tpu.memory_space<vmem>>
      %dma_wait3A_221 = arith.constant 0 : i32
      %dma_wait3A_222 = arith.constant 0 : i32
      %dma_wait3A_223 = tpu.memref_slice %arg2[%dma_wait3A_221, %dma_wait3A_222] : memref<10000x128xf32, #tpu.memory_space<hbm>> -> memref<10000x128xf32, #tpu.memory_space<hbm>>
      tpu.wait_indirect_dma semaphore(%arg15 : memref<!tpu.dma_semaphore, #tpu.memory_space<semaphore_mem>>) src(%dma_wait3A_223 : memref<10000x128xf32, #tpu.memory_space<hbm>>) dst(%arg11 : memref<64x128xf32, #tpu.memory_space<vmem>>)
      %add3A_224 = arith.constant 0 : i32
      %add3A_225 = arith.addi %mul3A_165, %add3A_224 : i32
      %dma_start3A_226 = arith.constant 0 : i32
      %dma_start3A_227 = tpu.memref_slice %arg10[%add3A_225, %dma_start3A_226] : memref<40x64xi32, #tpu.memory_space<vmem>> -> memref<1x64xi32, #tpu.memory_space<vmem>>
      %dma_start3A_228 = tpu.memref_squeeze %dma_start3A_227 : memref<1x64xi32, #tpu.memory_space<vmem>> -> memref<64xi32, #tpu.memory_space<vmem>>
      %dma_start3A_229 = arith.constant 0 : i32
      %dma_start3A_230 = arith.constant 0 : i32
      %dma_start3A_231 = tpu.memref_slice %arg8[%dma_start3A_229, %dma_start3A_230] : memref<10112x128xf32, #tpu.memory_space<vmem_shared>> -> memref<10112x128xf32, #tpu.memory_space<vmem_shared>>
      tpu.enqueue_indirect_dma source(%arg11 : memref<64x128xf32, #tpu.memory_space<vmem>>) target(%dma_start3A_231 : memref<10112x128xf32, #tpu.memory_space<vmem_shared>>) offsets(%dma_start3A_228 : memref<64xi32, #tpu.memory_space<vmem>>) semaphore(%arg19 : memref<!tpu.dma_semaphore, #tpu.memory_space<semaphore_mem>>) {add = true}
      %add3A_232 = arith.constant 1 : i32
      %add3A_233 = arith.addi %mul3A_165, %add3A_232 : i32
      %dma_wait3A_234 = arith.constant 0 : i32
      %dma_wait3A_235 = tpu.memref_slice %arg9[%add3A_233, %dma_wait3A_234] : memref<40x64xi32, #tpu.memory_space<vmem>> -> memref<1x64xi32, #tpu.memory_space<vmem>>
      %dma_wait3A_236 = tpu.memref_squeeze %dma_wait3A_235 : memref<1x64xi32, #tpu.memory_space<vmem>> -> memref<64xi32, #tpu.memory_space<vmem>>
      %dma_wait3A_237 = arith.constant 0 : i32
      %dma_wait3A_238 = arith.constant 0 : i32
      %dma_wait3A_239 = tpu.memref_slice %arg2[%dma_wait3A_237, %dma_wait3A_238] : memref<10000x128xf32, #tpu.memory_space<hbm>> -> memref<10000x128xf32, #tpu.memory_space<hbm>>
      tpu.wait_indirect_dma semaphore(%arg16 : memref<!tpu.dma_semaphore, #tpu.memory_space<semaphore_mem>>) src(%dma_wait3A_239 : memref<10000x128xf32, #tpu.memory_space<hbm>>) dst(%arg12 : memref<64x128xf32, #tpu.memory_space<vmem>>)
      %add3A_240 = arith.constant 1 : i32
      %add3A_241 = arith.addi %mul3A_165, %add3A_240 : i32
      %dma_start3A_242 = arith.constant 0 : i32
      %dma_start3A_243 = tpu.memref_slice %arg10[%add3A_241, %dma_start3A_242] : memref<40x64xi32, #tpu.memory_space<vmem>> -> memref<1x64xi32, #tpu.memory_space<vmem>>
      %dma_start3A_244 = tpu.memref_squeeze %dma_start3A_243 : memref<1x64xi32, #tpu.memory_space<vmem>> -> memref<64xi32, #tpu.memory_space<vmem>>
      %dma_start3A_245 = arith.constant 0 : i32
      %dma_start3A_246 = arith.constant 0 : i32
      %dma_start3A_247 = tpu.memref_slice %arg8[%dma_start3A_245, %dma_start3A_246] : memref<10112x128xf32, #tpu.memory_space<vmem_shared>> -> memref<10112x128xf32, #tpu.memory_space<vmem_shared>>
      tpu.enqueue_indirect_dma source(%arg12 : memref<64x128xf32, #tpu.memory_space<vmem>>) target(%dma_start3A_247 : memref<10112x128xf32, #tpu.memory_space<vmem_shared>>) offsets(%dma_start3A_244 : memref<64xi32, #tpu.memory_space<vmem>>) semaphore(%arg20 : memref<!tpu.dma_semaphore, #tpu.memory_space<semaphore_mem>>) {add = true}
      %add3A_248 = arith.constant 2 : i32
      %add3A_249 = arith.addi %mul3A_165, %add3A_248 : i32
      %dma_wait3A_250 = arith.constant 0 : i32
      %dma_wait3A_251 = tpu.memref_slice %arg9[%add3A_249, %dma_wait3A_250] : memref<40x64xi32, #tpu.memory_space<vmem>> -> memref<1x64xi32, #tpu.memory_space<vmem>>
      %dma_wait3A_252 = tpu.memref_squeeze %dma_wait3A_251 : memref<1x64xi32, #tpu.memory_space<vmem>> -> memref<64xi32, #tpu.memory_space<vmem>>
      %dma_wait3A_253 = arith.constant 0 : i32
      %dma_wait3A_254 = arith.constant 0 : i32
      %dma_wait3A_255 = tpu.memref_slice %arg2[%dma_wait3A_253, %dma_wait3A_254] : memref<10000x128xf32, #tpu.memory_space<hbm>> -> memref<10000x128xf32, #tpu.memory_space<hbm>>
      tpu.wait_indirect_dma semaphore(%arg17 : memref<!tpu.dma_semaphore, #tpu.memory_space<semaphore_mem>>) src(%dma_wait3A_255 : memref<10000x128xf32, #tpu.memory_space<hbm>>) dst(%arg13 : memref<64x128xf32, #tpu.memory_space<vmem>>)
      %add3A_256 = arith.constant 2 : i32
      %add3A_257 = arith.addi %mul3A_165, %add3A_256 : i32
      %dma_start3A_258 = arith.constant 0 : i32
      %dma_start3A_259 = tpu.memref_slice %arg10[%add3A_257, %dma_start3A_258] : memref<40x64xi32, #tpu.memory_space<vmem>> -> memref<1x64xi32, #tpu.memory_space<vmem>>
      %dma_start3A_260 = tpu.memref_squeeze %dma_start3A_259 : memref<1x64xi32, #tpu.memory_space<vmem>> -> memref<64xi32, #tpu.memory_space<vmem>>
      %dma_start3A_261 = arith.constant 0 : i32
      %dma_start3A_262 = arith.constant 0 : i32
      %dma_start3A_263 = tpu.memref_slice %arg8[%dma_start3A_261, %dma_start3A_262] : memref<10112x128xf32, #tpu.memory_space<vmem_shared>> -> memref<10112x128xf32, #tpu.memory_space<vmem_shared>>
      tpu.enqueue_indirect_dma source(%arg13 : memref<64x128xf32, #tpu.memory_space<vmem>>) target(%dma_start3A_263 : memref<10112x128xf32, #tpu.memory_space<vmem_shared>>) offsets(%dma_start3A_260 : memref<64xi32, #tpu.memory_space<vmem>>) semaphore(%arg21 : memref<!tpu.dma_semaphore, #tpu.memory_space<semaphore_mem>>) {add = true}
      %add3A_264 = arith.constant 3 : i32
      %add3A_265 = arith.addi %mul3A_165, %add3A_264 : i32
      %dma_wait3A_266 = arith.constant 0 : i32
      %dma_wait3A_267 = tpu.memref_slice %arg9[%add3A_265, %dma_wait3A_266] : memref<40x64xi32, #tpu.memory_space<vmem>> -> memref<1x64xi32, #tpu.memory_space<vmem>>
      %dma_wait3A_268 = tpu.memref_squeeze %dma_wait3A_267 : memref<1x64xi32, #tpu.memory_space<vmem>> -> memref<64xi32, #tpu.memory_space<vmem>>
      %dma_wait3A_269 = arith.constant 0 : i32
      %dma_wait3A_270 = arith.constant 0 : i32
      %dma_wait3A_271 = tpu.memref_slice %arg2[%dma_wait3A_269, %dma_wait3A_270] : memref<10000x128xf32, #tpu.memory_space<hbm>> -> memref<10000x128xf32, #tpu.memory_space<hbm>>
      tpu.wait_indirect_dma semaphore(%arg18 : memref<!tpu.dma_semaphore, #tpu.memory_space<semaphore_mem>>) src(%dma_wait3A_271 : memref<10000x128xf32, #tpu.memory_space<hbm>>) dst(%arg14 : memref<64x128xf32, #tpu.memory_space<vmem>>)
      %add3A_272 = arith.constant 3 : i32
      %add3A_273 = arith.addi %mul3A_165, %add3A_272 : i32
      %dma_start3A_274 = arith.constant 0 : i32
      %dma_start3A_275 = tpu.memref_slice %arg10[%add3A_273, %dma_start3A_274] : memref<40x64xi32, #tpu.memory_space<vmem>> -> memref<1x64xi32, #tpu.memory_space<vmem>>
      %dma_start3A_276 = tpu.memref_squeeze %dma_start3A_275 : memref<1x64xi32, #tpu.memory_space<vmem>> -> memref<64xi32, #tpu.memory_space<vmem>>
      %dma_start3A_277 = arith.constant 0 : i32
      %dma_start3A_278 = arith.constant 0 : i32
      %dma_start3A_279 = tpu.memref_slice %arg8[%dma_start3A_277, %dma_start3A_278] : memref<10112x128xf32, #tpu.memory_space<vmem_shared>> -> memref<10112x128xf32, #tpu.memory_space<vmem_shared>>
      tpu.enqueue_indirect_dma source(%arg14 : memref<64x128xf32, #tpu.memory_space<vmem>>) target(%dma_start3A_279 : memref<10112x128xf32, #tpu.memory_space<vmem_shared>>) offsets(%dma_start3A_276 : memref<64xi32, #tpu.memory_space<vmem>>) semaphore(%arg22 : memref<!tpu.dma_semaphore, #tpu.memory_space<semaphore_mem>>) {add = true}
    }
    %scan3A_50 = arith.constant 10 : i32
    %dma_wait3A_51 = arith.constant 36 : i32
    %dma_wait3A_52 = arith.constant 0 : i32
    %dma_wait3A_53 = tpu.memref_slice %arg10[%dma_wait3A_51, %dma_wait3A_52] : memref<40x64xi32, #tpu.memory_space<vmem>> -> memref<1x64xi32, #tpu.memory_space<vmem>>
    %dma_wait3A_54 = tpu.memref_squeeze %dma_wait3A_53 : memref<1x64xi32, #tpu.memory_space<vmem>> -> memref<64xi32, #tpu.memory_space<vmem>>
    %dma_wait3A_55 = arith.constant 0 : i32
    %dma_wait3A_56 = arith.constant 0 : i32
    %dma_wait3A_57 = tpu.memref_slice %arg8[%dma_wait3A_55, %dma_wait3A_56] : memref<10112x128xf32, #tpu.memory_space<vmem_shared>> -> memref<10112x128xf32, #tpu.memory_space<vmem_shared>>
    tpu.wait_indirect_dma semaphore(%arg19 : memref<!tpu.dma_semaphore, #tpu.memory_space<semaphore_mem>>) src(%arg11 : memref<64x128xf32, #tpu.memory_space<vmem>>) dst(%dma_wait3A_57 : memref<10112x128xf32, #tpu.memory_space<vmem_shared>>)
    %dma_wait3A_58 = arith.constant 37 : i32
    %dma_wait3A_59 = arith.constant 0 : i32
    %dma_wait3A_60 = tpu.memref_slice %arg10[%dma_wait3A_58, %dma_wait3A_59] : memref<40x64xi32, #tpu.memory_space<vmem>> -> memref<1x64xi32, #tpu.memory_space<vmem>>
    %dma_wait3A_61 = tpu.memref_squeeze %dma_wait3A_60 : memref<1x64xi32, #tpu.memory_space<vmem>> -> memref<64xi32, #tpu.memory_space<vmem>>
    %dma_wait3A_62 = arith.constant 0 : i32
    %dma_wait3A_63 = arith.constant 0 : i32
    %dma_wait3A_64 = tpu.memref_slice %arg8[%dma_wait3A_62, %dma_wait3A_63] : memref<10112x128xf32, #tpu.memory_space<vmem_shared>> -> memref<10112x128xf32, #tpu.memory_space<vmem_shared>>
    tpu.wait_indirect_dma semaphore(%arg20 : memref<!tpu.dma_semaphore, #tpu.memory_space<semaphore_mem>>) src(%arg12 : memref<64x128xf32, #tpu.memory_space<vmem>>) dst(%dma_wait3A_64 : memref<10112x128xf32, #tpu.memory_space<vmem_shared>>)
    %dma_wait3A_65 = arith.constant 38 : i32
    %dma_wait3A_66 = arith.constant 0 : i32
    %dma_wait3A_67 = tpu.memref_slice %arg10[%dma_wait3A_65, %dma_wait3A_66] : memref<40x64xi32, #tpu.memory_space<vmem>> -> memref<1x64xi32, #tpu.memory_space<vmem>>
    %dma_wait3A_68 = tpu.memref_squeeze %dma_wait3A_67 : memref<1x64xi32, #tpu.memory_space<vmem>> -> memref<64xi32, #tpu.memory_space<vmem>>
    %dma_wait3A_69 = arith.constant 0 : i32
    %dma_wait3A_70 = arith.constant 0 : i32
    %dma_wait3A_71 = tpu.memref_slice %arg8[%dma_wait3A_69, %dma_wait3A_70] : memref<10112x128xf32, #tpu.memory_space<vmem_shared>> -> memref<10112x128xf32, #tpu.memory_space<vmem_shared>>
    tpu.wait_indirect_dma semaphore(%arg21 : memref<!tpu.dma_semaphore, #tpu.memory_space<semaphore_mem>>) src(%arg13 : memref<64x128xf32, #tpu.memory_space<vmem>>) dst(%dma_wait3A_71 : memref<10112x128xf32, #tpu.memory_space<vmem_shared>>)
    %dma_wait3A_72 = arith.constant 39 : i32
    %dma_wait3A_73 = arith.constant 0 : i32
    %dma_wait3A_74 = tpu.memref_slice %arg10[%dma_wait3A_72, %dma_wait3A_73] : memref<40x64xi32, #tpu.memory_space<vmem>> -> memref<1x64xi32, #tpu.memory_space<vmem>>
    %dma_wait3A_75 = tpu.memref_squeeze %dma_wait3A_74 : memref<1x64xi32, #tpu.memory_space<vmem>> -> memref<64xi32, #tpu.memory_space<vmem>>
    %dma_wait3A_76 = arith.constant 0 : i32
    %dma_wait3A_77 = arith.constant 0 : i32
    %dma_wait3A_78 = tpu.memref_slice %arg8[%dma_wait3A_76, %dma_wait3A_77] : memref<10112x128xf32, #tpu.memory_space<vmem_shared>> -> memref<10112x128xf32, #tpu.memory_space<vmem_shared>>
    tpu.wait_indirect_dma semaphore(%arg22 : memref<!tpu.dma_semaphore, #tpu.memory_space<semaphore_mem>>) src(%arg14 : memref<64x128xf32, #tpu.memory_space<vmem>>) dst(%dma_wait3A_78 : memref<10112x128xf32, #tpu.memory_space<vmem_shared>>)
    %add3A_79 = arith.constant 80 : i32
    %add3A_80 = arith.addi %mul3A_4, %add3A_79 : i32
    "tpu.region"() ({
      %run_scoped3A = tpu.sem_alloc : memref<!tpu.dma_semaphore, #tpu.memory_space<semaphore_mem>>
      %dma_start3A = arith.constant 0 : i32
      %dma_start3A_163 = tpu.memref_slice %arg3[%add3A_80, %dma_start3A] : memref<5120x64xi32, #tpu.memory_space<hbm>> -> memref<40x64xi32, #tpu.memory_space<hbm>>
      %dma_start3A_164 = arith.constant 0 : i32
      %dma_start3A_165 = tpu.memref_slice %arg3[%add3A_80, %dma_start3A_164] : memref<5120x64xi32, #tpu.memory_space<hbm>> -> memref<40x64xi32, #tpu.memory_space<hbm>>
      tpu.enqueue_dma source(%dma_start3A_165 : memref<40x64xi32, #tpu.memory_space<hbm>>) target(%arg9 : memref<40x64xi32, #tpu.memory_space<vmem>>) target_semaphore(%run_scoped3A : memref<!tpu.dma_semaphore, #tpu.memory_space<semaphore_mem>>)
      %dma_wait3A_166 = arith.constant 0 : i32
      %dma_wait3A_167 = tpu.memref_slice %arg3[%add3A_80, %dma_wait3A_166] : memref<5120x64xi32, #tpu.memory_space<hbm>> -> memref<40x64xi32, #tpu.memory_space<hbm>>
      %dma_wait3A_168 = arith.constant 0 : i32
      %dma_wait3A_169 = tpu.memref_slice %arg3[%add3A_80, %dma_wait3A_168] : memref<5120x64xi32, #tpu.memory_space<hbm>> -> memref<40x64xi32, #tpu.memory_space<hbm>>
      tpu.wait_dma2 semaphore(%run_scoped3A : memref<!tpu.dma_semaphore, #tpu.memory_space<semaphore_mem>>) src(%dma_wait3A_169 : memref<40x64xi32, #tpu.memory_space<hbm>>) dst(%arg9 : memref<40x64xi32, #tpu.memory_space<vmem>>)
      tpu.yield
    }) : () -> ()
    %add3A_81 = arith.constant 80 : i32
    %add3A_82 = arith.addi %mul3A_4, %add3A_81 : i32
    "tpu.region"() ({
      %run_scoped3A = tpu.sem_alloc : memref<!tpu.dma_semaphore, #tpu.memory_space<semaphore_mem>>
      %dma_start3A = arith.constant 0 : i32
      %dma_start3A_163 = tpu.memref_slice %arg4[%add3A_82, %dma_start3A] : memref<5120x64xi32, #tpu.memory_space<hbm>> -> memref<40x64xi32, #tpu.memory_space<hbm>>
      %dma_start3A_164 = arith.constant 0 : i32
      %dma_start3A_165 = tpu.memref_slice %arg4[%add3A_82, %dma_start3A_164] : memref<5120x64xi32, #tpu.memory_space<hbm>> -> memref<40x64xi32, #tpu.memory_space<hbm>>
      tpu.enqueue_dma source(%dma_start3A_165 : memref<40x64xi32, #tpu.memory_space<hbm>>) target(%arg10 : memref<40x64xi32, #tpu.memory_space<vmem>>) target_semaphore(%run_scoped3A : memref<!tpu.dma_semaphore, #tpu.memory_space<semaphore_mem>>)
      %dma_wait3A_166 = arith.constant 0 : i32
      %dma_wait3A_167 = tpu.memref_slice %arg4[%add3A_82, %dma_wait3A_166] : memref<5120x64xi32, #tpu.memory_space<hbm>> -> memref<40x64xi32, #tpu.memory_space<hbm>>
      %dma_wait3A_168 = arith.constant 0 : i32
      %dma_wait3A_169 = tpu.memref_slice %arg4[%add3A_82, %dma_wait3A_168] : memref<5120x64xi32, #tpu.memory_space<hbm>> -> memref<40x64xi32, #tpu.memory_space<hbm>>
      tpu.wait_dma2 semaphore(%run_scoped3A : memref<!tpu.dma_semaphore, #tpu.memory_space<semaphore_mem>>) src(%dma_wait3A_169 : memref<40x64xi32, #tpu.memory_space<hbm>>) dst(%arg10 : memref<40x64xi32, #tpu.memory_space<vmem>>)
      tpu.yield
    }) : () -> ()
    %scan3A_83 = arith.constant 0 : i32
    %scan3A_84 = arith.constant 0 : i32
    %scan3A_85 = arith.constant 10 : i32
    %scan3A_86 = arith.addi %scan3A_84, %scan3A_85 : i32
    %scan3A_87 = arith.constant 1 : i32
    scf.for %scan3A_163 = %scan3A_84 to %scan3A_86 step %scan3A_87  : i32 {
      %mul3A_164 = arith.constant 4 : i32
      %mul3A_165 = arith.muli %scan3A_163, %mul3A_164 : i32
      %gt3A = arith.constant 0 : i32
      %gt3A_166 = arith.cmpi sgt, %scan3A_163, %gt3A : i32
      %convert_element_type3A_167 = arith.extui %gt3A_166 : i1 to i32
      %cond3A_168 = arith.constant 0 : i32
      %cond3A_169 = arith.cmpi ne, %convert_element_type3A_167, %cond3A_168 : i32
      scf.if %cond3A_169 {
        %add3A_280 = arith.constant 0 : i32
        %add3A_281 = arith.addi %mul3A_165, %add3A_280 : i32
        %sub3A = arith.constant 4 : i32
        %sub3A_282 = arith.subi %add3A_281, %sub3A : i32
        %dma_wait3A_283 = arith.constant 0 : i32
        %dma_wait3A_284 = tpu.memref_slice %arg10[%sub3A_282, %dma_wait3A_283] : memref<40x64xi32, #tpu.memory_space<vmem>> -> memref<1x64xi32, #tpu.memory_space<vmem>>
        %dma_wait3A_285 = tpu.memref_squeeze %dma_wait3A_284 : memref<1x64xi32, #tpu.memory_space<vmem>> -> memref<64xi32, #tpu.memory_space<vmem>>
        %dma_wait3A_286 = arith.constant 0 : i32
        %dma_wait3A_287 = arith.constant 0 : i32
        %dma_wait3A_288 = tpu.memref_slice %arg8[%dma_wait3A_286, %dma_wait3A_287] : memref<10112x128xf32, #tpu.memory_space<vmem_shared>> -> memref<10112x128xf32, #tpu.memory_space<vmem_shared>>
        tpu.wait_indirect_dma semaphore(%arg19 : memref<!tpu.dma_semaphore, #tpu.memory_space<semaphore_mem>>) src(%arg11 : memref<64x128xf32, #tpu.memory_space<vmem>>) dst(%dma_wait3A_288 : memref<10112x128xf32, #tpu.memory_space<vmem_shared>>)
      } else {
      }
      %add3A_170 = arith.constant 0 : i32
      %add3A_171 = arith.addi %mul3A_165, %add3A_170 : i32
      %dma_start3A = arith.constant 0 : i32
      %dma_start3A_172 = tpu.memref_slice %arg9[%add3A_171, %dma_start3A] : memref<40x64xi32, #tpu.memory_space<vmem>> -> memref<1x64xi32, #tpu.memory_space<vmem>>
      %dma_start3A_173 = tpu.memref_squeeze %dma_start3A_172 : memref<1x64xi32, #tpu.memory_space<vmem>> -> memref<64xi32, #tpu.memory_space<vmem>>
      %dma_start3A_174 = arith.constant 0 : i32
      %dma_start3A_175 = arith.constant 0 : i32
      %dma_start3A_176 = tpu.memref_slice %arg2[%dma_start3A_174, %dma_start3A_175] : memref<10000x128xf32, #tpu.memory_space<hbm>> -> memref<10000x128xf32, #tpu.memory_space<hbm>>
      tpu.enqueue_indirect_dma source(%dma_start3A_176 : memref<10000x128xf32, #tpu.memory_space<hbm>>) target(%arg11 : memref<64x128xf32, #tpu.memory_space<vmem>>) offsets(%dma_start3A_173 : memref<64xi32, #tpu.memory_space<vmem>>) semaphore(%arg15 : memref<!tpu.dma_semaphore, #tpu.memory_space<semaphore_mem>>)
      %gt3A_177 = arith.constant 0 : i32
      %gt3A_178 = arith.cmpi sgt, %scan3A_163, %gt3A_177 : i32
      %convert_element_type3A_179 = arith.extui %gt3A_178 : i1 to i32
      %cond3A_180 = arith.constant 0 : i32
      %cond3A_181 = arith.cmpi ne, %convert_element_type3A_179, %cond3A_180 : i32
      scf.if %cond3A_181 {
        %add3A_280 = arith.constant 1 : i32
        %add3A_281 = arith.addi %mul3A_165, %add3A_280 : i32
        %sub3A = arith.constant 4 : i32
        %sub3A_282 = arith.subi %add3A_281, %sub3A : i32
        %dma_wait3A_283 = arith.constant 0 : i32
        %dma_wait3A_284 = tpu.memref_slice %arg10[%sub3A_282, %dma_wait3A_283] : memref<40x64xi32, #tpu.memory_space<vmem>> -> memref<1x64xi32, #tpu.memory_space<vmem>>
        %dma_wait3A_285 = tpu.memref_squeeze %dma_wait3A_284 : memref<1x64xi32, #tpu.memory_space<vmem>> -> memref<64xi32, #tpu.memory_space<vmem>>
        %dma_wait3A_286 = arith.constant 0 : i32
        %dma_wait3A_287 = arith.constant 0 : i32
        %dma_wait3A_288 = tpu.memref_slice %arg8[%dma_wait3A_286, %dma_wait3A_287] : memref<10112x128xf32, #tpu.memory_space<vmem_shared>> -> memref<10112x128xf32, #tpu.memory_space<vmem_shared>>
        tpu.wait_indirect_dma semaphore(%arg20 : memref<!tpu.dma_semaphore, #tpu.memory_space<semaphore_mem>>) src(%arg12 : memref<64x128xf32, #tpu.memory_space<vmem>>) dst(%dma_wait3A_288 : memref<10112x128xf32, #tpu.memory_space<vmem_shared>>)
      } else {
      }
      %add3A_182 = arith.constant 1 : i32
      %add3A_183 = arith.addi %mul3A_165, %add3A_182 : i32
      %dma_start3A_184 = arith.constant 0 : i32
      %dma_start3A_185 = tpu.memref_slice %arg9[%add3A_183, %dma_start3A_184] : memref<40x64xi32, #tpu.memory_space<vmem>> -> memref<1x64xi32, #tpu.memory_space<vmem>>
      %dma_start3A_186 = tpu.memref_squeeze %dma_start3A_185 : memref<1x64xi32, #tpu.memory_space<vmem>> -> memref<64xi32, #tpu.memory_space<vmem>>
      %dma_start3A_187 = arith.constant 0 : i32
      %dma_start3A_188 = arith.constant 0 : i32
      %dma_start3A_189 = tpu.memref_slice %arg2[%dma_start3A_187, %dma_start3A_188] : memref<10000x128xf32, #tpu.memory_space<hbm>> -> memref<10000x128xf32, #tpu.memory_space<hbm>>
      tpu.enqueue_indirect_dma source(%dma_start3A_189 : memref<10000x128xf32, #tpu.memory_space<hbm>>) target(%arg12 : memref<64x128xf32, #tpu.memory_space<vmem>>) offsets(%dma_start3A_186 : memref<64xi32, #tpu.memory_space<vmem>>) semaphore(%arg16 : memref<!tpu.dma_semaphore, #tpu.memory_space<semaphore_mem>>)
      %gt3A_190 = arith.constant 0 : i32
      %gt3A_191 = arith.cmpi sgt, %scan3A_163, %gt3A_190 : i32
      %convert_element_type3A_192 = arith.extui %gt3A_191 : i1 to i32
      %cond3A_193 = arith.constant 0 : i32
      %cond3A_194 = arith.cmpi ne, %convert_element_type3A_192, %cond3A_193 : i32
      scf.if %cond3A_194 {
        %add3A_280 = arith.constant 2 : i32
        %add3A_281 = arith.addi %mul3A_165, %add3A_280 : i32
        %sub3A = arith.constant 4 : i32
        %sub3A_282 = arith.subi %add3A_281, %sub3A : i32
        %dma_wait3A_283 = arith.constant 0 : i32
        %dma_wait3A_284 = tpu.memref_slice %arg10[%sub3A_282, %dma_wait3A_283] : memref<40x64xi32, #tpu.memory_space<vmem>> -> memref<1x64xi32, #tpu.memory_space<vmem>>
        %dma_wait3A_285 = tpu.memref_squeeze %dma_wait3A_284 : memref<1x64xi32, #tpu.memory_space<vmem>> -> memref<64xi32, #tpu.memory_space<vmem>>
        %dma_wait3A_286 = arith.constant 0 : i32
        %dma_wait3A_287 = arith.constant 0 : i32
        %dma_wait3A_288 = tpu.memref_slice %arg8[%dma_wait3A_286, %dma_wait3A_287] : memref<10112x128xf32, #tpu.memory_space<vmem_shared>> -> memref<10112x128xf32, #tpu.memory_space<vmem_shared>>
        tpu.wait_indirect_dma semaphore(%arg21 : memref<!tpu.dma_semaphore, #tpu.memory_space<semaphore_mem>>) src(%arg13 : memref<64x128xf32, #tpu.memory_space<vmem>>) dst(%dma_wait3A_288 : memref<10112x128xf32, #tpu.memory_space<vmem_shared>>)
      } else {
      }
      %add3A_195 = arith.constant 2 : i32
      %add3A_196 = arith.addi %mul3A_165, %add3A_195 : i32
      %dma_start3A_197 = arith.constant 0 : i32
      %dma_start3A_198 = tpu.memref_slice %arg9[%add3A_196, %dma_start3A_197] : memref<40x64xi32, #tpu.memory_space<vmem>> -> memref<1x64xi32, #tpu.memory_space<vmem>>
      %dma_start3A_199 = tpu.memref_squeeze %dma_start3A_198 : memref<1x64xi32, #tpu.memory_space<vmem>> -> memref<64xi32, #tpu.memory_space<vmem>>
      %dma_start3A_200 = arith.constant 0 : i32
      %dma_start3A_201 = arith.constant 0 : i32
      %dma_start3A_202 = tpu.memref_slice %arg2[%dma_start3A_200, %dma_start3A_201] : memref<10000x128xf32, #tpu.memory_space<hbm>> -> memref<10000x128xf32, #tpu.memory_space<hbm>>
      tpu.enqueue_indirect_dma source(%dma_start3A_202 : memref<10000x128xf32, #tpu.memory_space<hbm>>) target(%arg13 : memref<64x128xf32, #tpu.memory_space<vmem>>) offsets(%dma_start3A_199 : memref<64xi32, #tpu.memory_space<vmem>>) semaphore(%arg17 : memref<!tpu.dma_semaphore, #tpu.memory_space<semaphore_mem>>)
      %gt3A_203 = arith.constant 0 : i32
      %gt3A_204 = arith.cmpi sgt, %scan3A_163, %gt3A_203 : i32
      %convert_element_type3A_205 = arith.extui %gt3A_204 : i1 to i32
      %cond3A_206 = arith.constant 0 : i32
      %cond3A_207 = arith.cmpi ne, %convert_element_type3A_205, %cond3A_206 : i32
      scf.if %cond3A_207 {
        %add3A_280 = arith.constant 3 : i32
        %add3A_281 = arith.addi %mul3A_165, %add3A_280 : i32
        %sub3A = arith.constant 4 : i32
        %sub3A_282 = arith.subi %add3A_281, %sub3A : i32
        %dma_wait3A_283 = arith.constant 0 : i32
        %dma_wait3A_284 = tpu.memref_slice %arg10[%sub3A_282, %dma_wait3A_283] : memref<40x64xi32, #tpu.memory_space<vmem>> -> memref<1x64xi32, #tpu.memory_space<vmem>>
        %dma_wait3A_285 = tpu.memref_squeeze %dma_wait3A_284 : memref<1x64xi32, #tpu.memory_space<vmem>> -> memref<64xi32, #tpu.memory_space<vmem>>
        %dma_wait3A_286 = arith.constant 0 : i32
        %dma_wait3A_287 = arith.constant 0 : i32
        %dma_wait3A_288 = tpu.memref_slice %arg8[%dma_wait3A_286, %dma_wait3A_287] : memref<10112x128xf32, #tpu.memory_space<vmem_shared>> -> memref<10112x128xf32, #tpu.memory_space<vmem_shared>>
        tpu.wait_indirect_dma semaphore(%arg22 : memref<!tpu.dma_semaphore, #tpu.memory_space<semaphore_mem>>) src(%arg14 : memref<64x128xf32, #tpu.memory_space<vmem>>) dst(%dma_wait3A_288 : memref<10112x128xf32, #tpu.memory_space<vmem_shared>>)
      } else {
      }
      %add3A_208 = arith.constant 3 : i32
      %add3A_209 = arith.addi %mul3A_165, %add3A_208 : i32
      %dma_start3A_210 = arith.constant 0 : i32
      %dma_start3A_211 = tpu.memref_slice %arg9[%add3A_209, %dma_start3A_210] : memref<40x64xi32, #tpu.memory_space<vmem>> -> memref<1x64xi32, #tpu.memory_space<vmem>>
      %dma_start3A_212 = tpu.memref_squeeze %dma_start3A_211 : memref<1x64xi32, #tpu.memory_space<vmem>> -> memref<64xi32, #tpu.memory_space<vmem>>
      %dma_start3A_213 = arith.constant 0 : i32
      %dma_start3A_214 = arith.constant 0 : i32
      %dma_start3A_215 = tpu.memref_slice %arg2[%dma_start3A_213, %dma_start3A_214] : memref<10000x128xf32, #tpu.memory_space<hbm>> -> memref<10000x128xf32, #tpu.memory_space<hbm>>
      tpu.enqueue_indirect_dma source(%dma_start3A_215 : memref<10000x128xf32, #tpu.memory_space<hbm>>) target(%arg14 : memref<64x128xf32, #tpu.memory_space<vmem>>) offsets(%dma_start3A_212 : memref<64xi32, #tpu.memory_space<vmem>>) semaphore(%arg18 : memref<!tpu.dma_semaphore, #tpu.memory_space<semaphore_mem>>)
      %add3A_216 = arith.constant 0 : i32
      %add3A_217 = arith.addi %mul3A_165, %add3A_216 : i32
      %dma_wait3A_218 = arith.constant 0 : i32
      %dma_wait3A_219 = tpu.memref_slice %arg9[%add3A_217, %dma_wait3A_218] : memref<40x64xi32, #tpu.memory_space<vmem>> -> memref<1x64xi32, #tpu.memory_space<vmem>>
      %dma_wait3A_220 = tpu.memref_squeeze %dma_wait3A_219 : memref<1x64xi32, #tpu.memory_space<vmem>> -> memref<64xi32, #tpu.memory_space<vmem>>
      %dma_wait3A_221 = arith.constant 0 : i32
      %dma_wait3A_222 = arith.constant 0 : i32
      %dma_wait3A_223 = tpu.memref_slice %arg2[%dma_wait3A_221, %dma_wait3A_222] : memref<10000x128xf32, #tpu.memory_space<hbm>> -> memref<10000x128xf32, #tpu.memory_space<hbm>>
      tpu.wait_indirect_dma semaphore(%arg15 : memref<!tpu.dma_semaphore, #tpu.memory_space<semaphore_mem>>) src(%dma_wait3A_223 : memref<10000x128xf32, #tpu.memory_space<hbm>>) dst(%arg11 : memref<64x128xf32, #tpu.memory_space<vmem>>)
      %add3A_224 = arith.constant 0 : i32
      %add3A_225 = arith.addi %mul3A_165, %add3A_224 : i32
      %dma_start3A_226 = arith.constant 0 : i32
      %dma_start3A_227 = tpu.memref_slice %arg10[%add3A_225, %dma_start3A_226] : memref<40x64xi32, #tpu.memory_space<vmem>> -> memref<1x64xi32, #tpu.memory_space<vmem>>
      %dma_start3A_228 = tpu.memref_squeeze %dma_start3A_227 : memref<1x64xi32, #tpu.memory_space<vmem>> -> memref<64xi32, #tpu.memory_space<vmem>>
      %dma_start3A_229 = arith.constant 0 : i32
      %dma_start3A_230 = arith.constant 0 : i32
      %dma_start3A_231 = tpu.memref_slice %arg8[%dma_start3A_229, %dma_start3A_230] : memref<10112x128xf32, #tpu.memory_space<vmem_shared>> -> memref<10112x128xf32, #tpu.memory_space<vmem_shared>>
      tpu.enqueue_indirect_dma source(%arg11 : memref<64x128xf32, #tpu.memory_space<vmem>>) target(%dma_start3A_231 : memref<10112x128xf32, #tpu.memory_space<vmem_shared>>) offsets(%dma_start3A_228 : memref<64xi32, #tpu.memory_space<vmem>>) semaphore(%arg19 : memref<!tpu.dma_semaphore, #tpu.memory_space<semaphore_mem>>) {add = true}
      %add3A_232 = arith.constant 1 : i32
      %add3A_233 = arith.addi %mul3A_165, %add3A_232 : i32
      %dma_wait3A_234 = arith.constant 0 : i32
      %dma_wait3A_235 = tpu.memref_slice %arg9[%add3A_233, %dma_wait3A_234] : memref<40x64xi32, #tpu.memory_space<vmem>> -> memref<1x64xi32, #tpu.memory_space<vmem>>
      %dma_wait3A_236 = tpu.memref_squeeze %dma_wait3A_235 : memref<1x64xi32, #tpu.memory_space<vmem>> -> memref<64xi32, #tpu.memory_space<vmem>>
      %dma_wait3A_237 = arith.constant 0 : i32
      %dma_wait3A_238 = arith.constant 0 : i32
      %dma_wait3A_239 = tpu.memref_slice %arg2[%dma_wait3A_237, %dma_wait3A_238] : memref<10000x128xf32, #tpu.memory_space<hbm>> -> memref<10000x128xf32, #tpu.memory_space<hbm>>
      tpu.wait_indirect_dma semaphore(%arg16 : memref<!tpu.dma_semaphore, #tpu.memory_space<semaphore_mem>>) src(%dma_wait3A_239 : memref<10000x128xf32, #tpu.memory_space<hbm>>) dst(%arg12 : memref<64x128xf32, #tpu.memory_space<vmem>>)
      %add3A_240 = arith.constant 1 : i32
      %add3A_241 = arith.addi %mul3A_165, %add3A_240 : i32
      %dma_start3A_242 = arith.constant 0 : i32
      %dma_start3A_243 = tpu.memref_slice %arg10[%add3A_241, %dma_start3A_242] : memref<40x64xi32, #tpu.memory_space<vmem>> -> memref<1x64xi32, #tpu.memory_space<vmem>>
      %dma_start3A_244 = tpu.memref_squeeze %dma_start3A_243 : memref<1x64xi32, #tpu.memory_space<vmem>> -> memref<64xi32, #tpu.memory_space<vmem>>
      %dma_start3A_245 = arith.constant 0 : i32
      %dma_start3A_246 = arith.constant 0 : i32
      %dma_start3A_247 = tpu.memref_slice %arg8[%dma_start3A_245, %dma_start3A_246] : memref<10112x128xf32, #tpu.memory_space<vmem_shared>> -> memref<10112x128xf32, #tpu.memory_space<vmem_shared>>
      tpu.enqueue_indirect_dma source(%arg12 : memref<64x128xf32, #tpu.memory_space<vmem>>) target(%dma_start3A_247 : memref<10112x128xf32, #tpu.memory_space<vmem_shared>>) offsets(%dma_start3A_244 : memref<64xi32, #tpu.memory_space<vmem>>) semaphore(%arg20 : memref<!tpu.dma_semaphore, #tpu.memory_space<semaphore_mem>>) {add = true}
      %add3A_248 = arith.constant 2 : i32
      %add3A_249 = arith.addi %mul3A_165, %add3A_248 : i32
      %dma_wait3A_250 = arith.constant 0 : i32
      %dma_wait3A_251 = tpu.memref_slice %arg9[%add3A_249, %dma_wait3A_250] : memref<40x64xi32, #tpu.memory_space<vmem>> -> memref<1x64xi32, #tpu.memory_space<vmem>>
      %dma_wait3A_252 = tpu.memref_squeeze %dma_wait3A_251 : memref<1x64xi32, #tpu.memory_space<vmem>> -> memref<64xi32, #tpu.memory_space<vmem>>
      %dma_wait3A_253 = arith.constant 0 : i32
      %dma_wait3A_254 = arith.constant 0 : i32
      %dma_wait3A_255 = tpu.memref_slice %arg2[%dma_wait3A_253, %dma_wait3A_254] : memref<10000x128xf32, #tpu.memory_space<hbm>> -> memref<10000x128xf32, #tpu.memory_space<hbm>>
      tpu.wait_indirect_dma semaphore(%arg17 : memref<!tpu.dma_semaphore, #tpu.memory_space<semaphore_mem>>) src(%dma_wait3A_255 : memref<10000x128xf32, #tpu.memory_space<hbm>>) dst(%arg13 : memref<64x128xf32, #tpu.memory_space<vmem>>)
      %add3A_256 = arith.constant 2 : i32
      %add3A_257 = arith.addi %mul3A_165, %add3A_256 : i32
      %dma_start3A_258 = arith.constant 0 : i32
      %dma_start3A_259 = tpu.memref_slice %arg10[%add3A_257, %dma_start3A_258] : memref<40x64xi32, #tpu.memory_space<vmem>> -> memref<1x64xi32, #tpu.memory_space<vmem>>
      %dma_start3A_260 = tpu.memref_squeeze %dma_start3A_259 : memref<1x64xi32, #tpu.memory_space<vmem>> -> memref<64xi32, #tpu.memory_space<vmem>>
      %dma_start3A_261 = arith.constant 0 : i32
      %dma_start3A_262 = arith.constant 0 : i32
      %dma_start3A_263 = tpu.memref_slice %arg8[%dma_start3A_261, %dma_start3A_262] : memref<10112x128xf32, #tpu.memory_space<vmem_shared>> -> memref<10112x128xf32, #tpu.memory_space<vmem_shared>>
      tpu.enqueue_indirect_dma source(%arg13 : memref<64x128xf32, #tpu.memory_space<vmem>>) target(%dma_start3A_263 : memref<10112x128xf32, #tpu.memory_space<vmem_shared>>) offsets(%dma_start3A_260 : memref<64xi32, #tpu.memory_space<vmem>>) semaphore(%arg21 : memref<!tpu.dma_semaphore, #tpu.memory_space<semaphore_mem>>) {add = true}
      %add3A_264 = arith.constant 3 : i32
      %add3A_265 = arith.addi %mul3A_165, %add3A_264 : i32
      %dma_wait3A_266 = arith.constant 0 : i32
      %dma_wait3A_267 = tpu.memref_slice %arg9[%add3A_265, %dma_wait3A_266] : memref<40x64xi32, #tpu.memory_space<vmem>> -> memref<1x64xi32, #tpu.memory_space<vmem>>
      %dma_wait3A_268 = tpu.memref_squeeze %dma_wait3A_267 : memref<1x64xi32, #tpu.memory_space<vmem>> -> memref<64xi32, #tpu.memory_space<vmem>>
      %dma_wait3A_269 = arith.constant 0 : i32
      %dma_wait3A_270 = arith.constant 0 : i32
      %dma_wait3A_271 = tpu.memref_slice %arg2[%dma_wait3A_269, %dma_wait3A_270] : memref<10000x128xf32, #tpu.memory_space<hbm>> -> memref<10000x128xf32, #tpu.memory_space<hbm>>
      tpu.wait_indirect_dma semaphore(%arg18 : memref<!tpu.dma_semaphore, #tpu.memory_space<semaphore_mem>>) src(%dma_wait3A_271 : memref<10000x128xf32, #tpu.memory_space<hbm>>) dst(%arg14 : memref<64x128xf32, #tpu.memory_space<vmem>>)
      %add3A_272 = arith.constant 3 : i32
      %add3A_273 = arith.addi %mul3A_165, %add3A_272 : i32
      %dma_start3A_274 = arith.constant 0 : i32
      %dma_start3A_275 = tpu.memref_slice %arg10[%add3A_273, %dma_start3A_274] : memref<40x64xi32, #tpu.memory_space<vmem>> -> memref<1x64xi32, #tpu.memory_space<vmem>>
      %dma_start3A_276 = tpu.memref_squeeze %dma_start3A_275 : memref<1x64xi32, #tpu.memory_space<vmem>> -> memref<64xi32, #tpu.memory_space<vmem>>
      %dma_start3A_277 = arith.constant 0 : i32
      %dma_start3A_278 = arith.constant 0 : i32
      %dma_start3A_279 = tpu.memref_slice %arg8[%dma_start3A_277, %dma_start3A_278] : memref<10112x128xf32, #tpu.memory_space<vmem_shared>> -> memref<10112x128xf32, #tpu.memory_space<vmem_shared>>
      tpu.enqueue_indirect_dma source(%arg14 : memref<64x128xf32, #tpu.memory_space<vmem>>) target(%dma_start3A_279 : memref<10112x128xf32, #tpu.memory_space<vmem_shared>>) offsets(%dma_start3A_276 : memref<64xi32, #tpu.memory_space<vmem>>) semaphore(%arg22 : memref<!tpu.dma_semaphore, #tpu.memory_space<semaphore_mem>>) {add = true}
    }
    %scan3A_88 = arith.constant 10 : i32
    %dma_wait3A_89 = arith.constant 36 : i32
    %dma_wait3A_90 = arith.constant 0 : i32
    %dma_wait3A_91 = tpu.memref_slice %arg10[%dma_wait3A_89, %dma_wait3A_90] : memref<40x64xi32, #tpu.memory_space<vmem>> -> memref<1x64xi32, #tpu.memory_space<vmem>>
    %dma_wait3A_92 = tpu.memref_squeeze %dma_wait3A_91 : memref<1x64xi32, #tpu.memory_space<vmem>> -> memref<64xi32, #tpu.memory_space<vmem>>
    %dma_wait3A_93 = arith.constant 0 : i32
    %dma_wait3A_94 = arith.constant 0 : i32
    %dma_wait3A_95 = tpu.memref_slice %arg8[%dma_wait3A_93, %dma_wait3A_94] : memref<10112x128xf32, #tpu.memory_space<vmem_shared>> -> memref<10112x128xf32, #tpu.memory_space<vmem_shared>>
    tpu.wait_indirect_dma semaphore(%arg19 : memref<!tpu.dma_semaphore, #tpu.memory_space<semaphore_mem>>) src(%arg11 : memref<64x128xf32, #tpu.memory_space<vmem>>) dst(%dma_wait3A_95 : memref<10112x128xf32, #tpu.memory_space<vmem_shared>>)
    %dma_wait3A_96 = arith.constant 37 : i32
    %dma_wait3A_97 = arith.constant 0 : i32
    %dma_wait3A_98 = tpu.memref_slice %arg10[%dma_wait3A_96, %dma_wait3A_97] : memref<40x64xi32, #tpu.memory_space<vmem>> -> memref<1x64xi32, #tpu.memory_space<vmem>>
    %dma_wait3A_99 = tpu.memref_squeeze %dma_wait3A_98 : memref<1x64xi32, #tpu.memory_space<vmem>> -> memref<64xi32, #tpu.memory_space<vmem>>
    %dma_wait3A_100 = arith.constant 0 : i32
    %dma_wait3A_101 = arith.constant 0 : i32
    %dma_wait3A_102 = tpu.memref_slice %arg8[%dma_wait3A_100, %dma_wait3A_101] : memref<10112x128xf32, #tpu.memory_space<vmem_shared>> -> memref<10112x128xf32, #tpu.memory_space<vmem_shared>>
    tpu.wait_indirect_dma semaphore(%arg20 : memref<!tpu.dma_semaphore, #tpu.memory_space<semaphore_mem>>) src(%arg12 : memref<64x128xf32, #tpu.memory_space<vmem>>) dst(%dma_wait3A_102 : memref<10112x128xf32, #tpu.memory_space<vmem_shared>>)
    %dma_wait3A_103 = arith.constant 38 : i32
    %dma_wait3A_104 = arith.constant 0 : i32
    %dma_wait3A_105 = tpu.memref_slice %arg10[%dma_wait3A_103, %dma_wait3A_104] : memref<40x64xi32, #tpu.memory_space<vmem>> -> memref<1x64xi32, #tpu.memory_space<vmem>>
    %dma_wait3A_106 = tpu.memref_squeeze %dma_wait3A_105 : memref<1x64xi32, #tpu.memory_space<vmem>> -> memref<64xi32, #tpu.memory_space<vmem>>
    %dma_wait3A_107 = arith.constant 0 : i32
    %dma_wait3A_108 = arith.constant 0 : i32
    %dma_wait3A_109 = tpu.memref_slice %arg8[%dma_wait3A_107, %dma_wait3A_108] : memref<10112x128xf32, #tpu.memory_space<vmem_shared>> -> memref<10112x128xf32, #tpu.memory_space<vmem_shared>>
    tpu.wait_indirect_dma semaphore(%arg21 : memref<!tpu.dma_semaphore, #tpu.memory_space<semaphore_mem>>) src(%arg13 : memref<64x128xf32, #tpu.memory_space<vmem>>) dst(%dma_wait3A_109 : memref<10112x128xf32, #tpu.memory_space<vmem_shared>>)
    %dma_wait3A_110 = arith.constant 39 : i32
    %dma_wait3A_111 = arith.constant 0 : i32
    %dma_wait3A_112 = tpu.memref_slice %arg10[%dma_wait3A_110, %dma_wait3A_111] : memref<40x64xi32, #tpu.memory_space<vmem>> -> memref<1x64xi32, #tpu.memory_space<vmem>>
    %dma_wait3A_113 = tpu.memref_squeeze %dma_wait3A_112 : memref<1x64xi32, #tpu.memory_space<vmem>> -> memref<64xi32, #tpu.memory_space<vmem>>
    %dma_wait3A_114 = arith.constant 0 : i32
    %dma_wait3A_115 = arith.constant 0 : i32
    %dma_wait3A_116 = tpu.memref_slice %arg8[%dma_wait3A_114, %dma_wait3A_115] : memref<10112x128xf32, #tpu.memory_space<vmem_shared>> -> memref<10112x128xf32, #tpu.memory_space<vmem_shared>>
    tpu.wait_indirect_dma semaphore(%arg22 : memref<!tpu.dma_semaphore, #tpu.memory_space<semaphore_mem>>) src(%arg14 : memref<64x128xf32, #tpu.memory_space<vmem>>) dst(%dma_wait3A_116 : memref<10112x128xf32, #tpu.memory_space<vmem_shared>>)
    %add3A_117 = arith.constant 120 : i32
    %add3A_118 = arith.addi %mul3A_4, %add3A_117 : i32
    "tpu.region"() ({
      %run_scoped3A = tpu.sem_alloc : memref<!tpu.dma_semaphore, #tpu.memory_space<semaphore_mem>>
      %dma_start3A = arith.constant 0 : i32
      %dma_start3A_163 = tpu.memref_slice %arg3[%add3A_118, %dma_start3A] : memref<5120x64xi32, #tpu.memory_space<hbm>> -> memref<40x64xi32, #tpu.memory_space<hbm>>
      %dma_start3A_164 = arith.constant 0 : i32
      %dma_start3A_165 = tpu.memref_slice %arg3[%add3A_118, %dma_start3A_164] : memref<5120x64xi32, #tpu.memory_space<hbm>> -> memref<40x64xi32, #tpu.memory_space<hbm>>
      tpu.enqueue_dma source(%dma_start3A_165 : memref<40x64xi32, #tpu.memory_space<hbm>>) target(%arg9 : memref<40x64xi32, #tpu.memory_space<vmem>>) target_semaphore(%run_scoped3A : memref<!tpu.dma_semaphore, #tpu.memory_space<semaphore_mem>>)
      %dma_wait3A_166 = arith.constant 0 : i32
      %dma_wait3A_167 = tpu.memref_slice %arg3[%add3A_118, %dma_wait3A_166] : memref<5120x64xi32, #tpu.memory_space<hbm>> -> memref<40x64xi32, #tpu.memory_space<hbm>>
      %dma_wait3A_168 = arith.constant 0 : i32
      %dma_wait3A_169 = tpu.memref_slice %arg3[%add3A_118, %dma_wait3A_168] : memref<5120x64xi32, #tpu.memory_space<hbm>> -> memref<40x64xi32, #tpu.memory_space<hbm>>
      tpu.wait_dma2 semaphore(%run_scoped3A : memref<!tpu.dma_semaphore, #tpu.memory_space<semaphore_mem>>) src(%dma_wait3A_169 : memref<40x64xi32, #tpu.memory_space<hbm>>) dst(%arg9 : memref<40x64xi32, #tpu.memory_space<vmem>>)
      tpu.yield
    }) : () -> ()
    %add3A_119 = arith.constant 120 : i32
    %add3A_120 = arith.addi %mul3A_4, %add3A_119 : i32
    "tpu.region"() ({
      %run_scoped3A = tpu.sem_alloc : memref<!tpu.dma_semaphore, #tpu.memory_space<semaphore_mem>>
      %dma_start3A = arith.constant 0 : i32
      %dma_start3A_163 = tpu.memref_slice %arg4[%add3A_120, %dma_start3A] : memref<5120x64xi32, #tpu.memory_space<hbm>> -> memref<40x64xi32, #tpu.memory_space<hbm>>
      %dma_start3A_164 = arith.constant 0 : i32
      %dma_start3A_165 = tpu.memref_slice %arg4[%add3A_120, %dma_start3A_164] : memref<5120x64xi32, #tpu.memory_space<hbm>> -> memref<40x64xi32, #tpu.memory_space<hbm>>
      tpu.enqueue_dma source(%dma_start3A_165 : memref<40x64xi32, #tpu.memory_space<hbm>>) target(%arg10 : memref<40x64xi32, #tpu.memory_space<vmem>>) target_semaphore(%run_scoped3A : memref<!tpu.dma_semaphore, #tpu.memory_space<semaphore_mem>>)
      %dma_wait3A_166 = arith.constant 0 : i32
      %dma_wait3A_167 = tpu.memref_slice %arg4[%add3A_120, %dma_wait3A_166] : memref<5120x64xi32, #tpu.memory_space<hbm>> -> memref<40x64xi32, #tpu.memory_space<hbm>>
      %dma_wait3A_168 = arith.constant 0 : i32
      %dma_wait3A_169 = tpu.memref_slice %arg4[%add3A_120, %dma_wait3A_168] : memref<5120x64xi32, #tpu.memory_space<hbm>> -> memref<40x64xi32, #tpu.memory_space<hbm>>
      tpu.wait_dma2 semaphore(%run_scoped3A : memref<!tpu.dma_semaphore, #tpu.memory_space<semaphore_mem>>) src(%dma_wait3A_169 : memref<40x64xi32, #tpu.memory_space<hbm>>) dst(%arg10 : memref<40x64xi32, #tpu.memory_space<vmem>>)
      tpu.yield
    }) : () -> ()
    %scan3A_121 = arith.constant 0 : i32
    %scan3A_122 = arith.constant 0 : i32
    %scan3A_123 = arith.constant 10 : i32
    %scan3A_124 = arith.addi %scan3A_122, %scan3A_123 : i32
    %scan3A_125 = arith.constant 1 : i32
    scf.for %scan3A_163 = %scan3A_122 to %scan3A_124 step %scan3A_125  : i32 {
      %mul3A_164 = arith.constant 4 : i32
      %mul3A_165 = arith.muli %scan3A_163, %mul3A_164 : i32
      %gt3A = arith.constant 0 : i32
      %gt3A_166 = arith.cmpi sgt, %scan3A_163, %gt3A : i32
      %convert_element_type3A_167 = arith.extui %gt3A_166 : i1 to i32
      %cond3A_168 = arith.constant 0 : i32
      %cond3A_169 = arith.cmpi ne, %convert_element_type3A_167, %cond3A_168 : i32
      scf.if %cond3A_169 {
        %add3A_280 = arith.constant 0 : i32
        %add3A_281 = arith.addi %mul3A_165, %add3A_280 : i32
        %sub3A = arith.constant 4 : i32
        %sub3A_282 = arith.subi %add3A_281, %sub3A : i32
        %dma_wait3A_283 = arith.constant 0 : i32
        %dma_wait3A_284 = tpu.memref_slice %arg10[%sub3A_282, %dma_wait3A_283] : memref<40x64xi32, #tpu.memory_space<vmem>> -> memref<1x64xi32, #tpu.memory_space<vmem>>
        %dma_wait3A_285 = tpu.memref_squeeze %dma_wait3A_284 : memref<1x64xi32, #tpu.memory_space<vmem>> -> memref<64xi32, #tpu.memory_space<vmem>>
        %dma_wait3A_286 = arith.constant 0 : i32
        %dma_wait3A_287 = arith.constant 0 : i32
        %dma_wait3A_288 = tpu.memref_slice %arg8[%dma_wait3A_286, %dma_wait3A_287] : memref<10112x128xf32, #tpu.memory_space<vmem_shared>> -> memref<10112x128xf32, #tpu.memory_space<vmem_shared>>
        tpu.wait_indirect_dma semaphore(%arg19 : memref<!tpu.dma_semaphore, #tpu.memory_space<semaphore_mem>>) src(%arg11 : memref<64x128xf32, #tpu.memory_space<vmem>>) dst(%dma_wait3A_288 : memref<10112x128xf32, #tpu.memory_space<vmem_shared>>)
      } else {
      }
      %add3A_170 = arith.constant 0 : i32
      %add3A_171 = arith.addi %mul3A_165, %add3A_170 : i32
      %dma_start3A = arith.constant 0 : i32
      %dma_start3A_172 = tpu.memref_slice %arg9[%add3A_171, %dma_start3A] : memref<40x64xi32, #tpu.memory_space<vmem>> -> memref<1x64xi32, #tpu.memory_space<vmem>>
      %dma_start3A_173 = tpu.memref_squeeze %dma_start3A_172 : memref<1x64xi32, #tpu.memory_space<vmem>> -> memref<64xi32, #tpu.memory_space<vmem>>
      %dma_start3A_174 = arith.constant 0 : i32
      %dma_start3A_175 = arith.constant 0 : i32
      %dma_start3A_176 = tpu.memref_slice %arg2[%dma_start3A_174, %dma_start3A_175] : memref<10000x128xf32, #tpu.memory_space<hbm>> -> memref<10000x128xf32, #tpu.memory_space<hbm>>
      tpu.enqueue_indirect_dma source(%dma_start3A_176 : memref<10000x128xf32, #tpu.memory_space<hbm>>) target(%arg11 : memref<64x128xf32, #tpu.memory_space<vmem>>) offsets(%dma_start3A_173 : memref<64xi32, #tpu.memory_space<vmem>>) semaphore(%arg15 : memref<!tpu.dma_semaphore, #tpu.memory_space<semaphore_mem>>)
      %gt3A_177 = arith.constant 0 : i32
      %gt3A_178 = arith.cmpi sgt, %scan3A_163, %gt3A_177 : i32
      %convert_element_type3A_179 = arith.extui %gt3A_178 : i1 to i32
      %cond3A_180 = arith.constant 0 : i32
      %cond3A_181 = arith.cmpi ne, %convert_element_type3A_179, %cond3A_180 : i32
      scf.if %cond3A_181 {
        %add3A_280 = arith.constant 1 : i32
        %add3A_281 = arith.addi %mul3A_165, %add3A_280 : i32
        %sub3A = arith.constant 4 : i32
        %sub3A_282 = arith.subi %add3A_281, %sub3A : i32
        %dma_wait3A_283 = arith.constant 0 : i32
        %dma_wait3A_284 = tpu.memref_slice %arg10[%sub3A_282, %dma_wait3A_283] : memref<40x64xi32, #tpu.memory_space<vmem>> -> memref<1x64xi32, #tpu.memory_space<vmem>>
        %dma_wait3A_285 = tpu.memref_squeeze %dma_wait3A_284 : memref<1x64xi32, #tpu.memory_space<vmem>> -> memref<64xi32, #tpu.memory_space<vmem>>
        %dma_wait3A_286 = arith.constant 0 : i32
        %dma_wait3A_287 = arith.constant 0 : i32
        %dma_wait3A_288 = tpu.memref_slice %arg8[%dma_wait3A_286, %dma_wait3A_287] : memref<10112x128xf32, #tpu.memory_space<vmem_shared>> -> memref<10112x128xf32, #tpu.memory_space<vmem_shared>>
        tpu.wait_indirect_dma semaphore(%arg20 : memref<!tpu.dma_semaphore, #tpu.memory_space<semaphore_mem>>) src(%arg12 : memref<64x128xf32, #tpu.memory_space<vmem>>) dst(%dma_wait3A_288 : memref<10112x128xf32, #tpu.memory_space<vmem_shared>>)
      } else {
      }
      %add3A_182 = arith.constant 1 : i32
      %add3A_183 = arith.addi %mul3A_165, %add3A_182 : i32
      %dma_start3A_184 = arith.constant 0 : i32
      %dma_start3A_185 = tpu.memref_slice %arg9[%add3A_183, %dma_start3A_184] : memref<40x64xi32, #tpu.memory_space<vmem>> -> memref<1x64xi32, #tpu.memory_space<vmem>>
      %dma_start3A_186 = tpu.memref_squeeze %dma_start3A_185 : memref<1x64xi32, #tpu.memory_space<vmem>> -> memref<64xi32, #tpu.memory_space<vmem>>
      %dma_start3A_187 = arith.constant 0 : i32
      %dma_start3A_188 = arith.constant 0 : i32
      %dma_start3A_189 = tpu.memref_slice %arg2[%dma_start3A_187, %dma_start3A_188] : memref<10000x128xf32, #tpu.memory_space<hbm>> -> memref<10000x128xf32, #tpu.memory_space<hbm>>
      tpu.enqueue_indirect_dma source(%dma_start3A_189 : memref<10000x128xf32, #tpu.memory_space<hbm>>) target(%arg12 : memref<64x128xf32, #tpu.memory_space<vmem>>) offsets(%dma_start3A_186 : memref<64xi32, #tpu.memory_space<vmem>>) semaphore(%arg16 : memref<!tpu.dma_semaphore, #tpu.memory_space<semaphore_mem>>)
      %gt3A_190 = arith.constant 0 : i32
      %gt3A_191 = arith.cmpi sgt, %scan3A_163, %gt3A_190 : i32
      %convert_element_type3A_192 = arith.extui %gt3A_191 : i1 to i32
      %cond3A_193 = arith.constant 0 : i32
      %cond3A_194 = arith.cmpi ne, %convert_element_type3A_192, %cond3A_193 : i32
      scf.if %cond3A_194 {
        %add3A_280 = arith.constant 2 : i32
        %add3A_281 = arith.addi %mul3A_165, %add3A_280 : i32
        %sub3A = arith.constant 4 : i32
        %sub3A_282 = arith.subi %add3A_281, %sub3A : i32
        %dma_wait3A_283 = arith.constant 0 : i32
        %dma_wait3A_284 = tpu.memref_slice %arg10[%sub3A_282, %dma_wait3A_283] : memref<40x64xi32, #tpu.memory_space<vmem>> -> memref<1x64xi32, #tpu.memory_space<vmem>>
        %dma_wait3A_285 = tpu.memref_squeeze %dma_wait3A_284 : memref<1x64xi32, #tpu.memory_space<vmem>> -> memref<64xi32, #tpu.memory_space<vmem>>
        %dma_wait3A_286 = arith.constant 0 : i32
        %dma_wait3A_287 = arith.constant 0 : i32
        %dma_wait3A_288 = tpu.memref_slice %arg8[%dma_wait3A_286, %dma_wait3A_287] : memref<10112x128xf32, #tpu.memory_space<vmem_shared>> -> memref<10112x128xf32, #tpu.memory_space<vmem_shared>>
        tpu.wait_indirect_dma semaphore(%arg21 : memref<!tpu.dma_semaphore, #tpu.memory_space<semaphore_mem>>) src(%arg13 : memref<64x128xf32, #tpu.memory_space<vmem>>) dst(%dma_wait3A_288 : memref<10112x128xf32, #tpu.memory_space<vmem_shared>>)
      } else {
      }
      %add3A_195 = arith.constant 2 : i32
      %add3A_196 = arith.addi %mul3A_165, %add3A_195 : i32
      %dma_start3A_197 = arith.constant 0 : i32
      %dma_start3A_198 = tpu.memref_slice %arg9[%add3A_196, %dma_start3A_197] : memref<40x64xi32, #tpu.memory_space<vmem>> -> memref<1x64xi32, #tpu.memory_space<vmem>>
      %dma_start3A_199 = tpu.memref_squeeze %dma_start3A_198 : memref<1x64xi32, #tpu.memory_space<vmem>> -> memref<64xi32, #tpu.memory_space<vmem>>
      %dma_start3A_200 = arith.constant 0 : i32
      %dma_start3A_201 = arith.constant 0 : i32
      %dma_start3A_202 = tpu.memref_slice %arg2[%dma_start3A_200, %dma_start3A_201] : memref<10000x128xf32, #tpu.memory_space<hbm>> -> memref<10000x128xf32, #tpu.memory_space<hbm>>
      tpu.enqueue_indirect_dma source(%dma_start3A_202 : memref<10000x128xf32, #tpu.memory_space<hbm>>) target(%arg13 : memref<64x128xf32, #tpu.memory_space<vmem>>) offsets(%dma_start3A_199 : memref<64xi32, #tpu.memory_space<vmem>>) semaphore(%arg17 : memref<!tpu.dma_semaphore, #tpu.memory_space<semaphore_mem>>)
      %gt3A_203 = arith.constant 0 : i32
      %gt3A_204 = arith.cmpi sgt, %scan3A_163, %gt3A_203 : i32
      %convert_element_type3A_205 = arith.extui %gt3A_204 : i1 to i32
      %cond3A_206 = arith.constant 0 : i32
      %cond3A_207 = arith.cmpi ne, %convert_element_type3A_205, %cond3A_206 : i32
      scf.if %cond3A_207 {
        %add3A_280 = arith.constant 3 : i32
        %add3A_281 = arith.addi %mul3A_165, %add3A_280 : i32
        %sub3A = arith.constant 4 : i32
        %sub3A_282 = arith.subi %add3A_281, %sub3A : i32
        %dma_wait3A_283 = arith.constant 0 : i32
        %dma_wait3A_284 = tpu.memref_slice %arg10[%sub3A_282, %dma_wait3A_283] : memref<40x64xi32, #tpu.memory_space<vmem>> -> memref<1x64xi32, #tpu.memory_space<vmem>>
        %dma_wait3A_285 = tpu.memref_squeeze %dma_wait3A_284 : memref<1x64xi32, #tpu.memory_space<vmem>> -> memref<64xi32, #tpu.memory_space<vmem>>
        %dma_wait3A_286 = arith.constant 0 : i32
        %dma_wait3A_287 = arith.constant 0 : i32
        %dma_wait3A_288 = tpu.memref_slice %arg8[%dma_wait3A_286, %dma_wait3A_287] : memref<10112x128xf32, #tpu.memory_space<vmem_shared>> -> memref<10112x128xf32, #tpu.memory_space<vmem_shared>>
        tpu.wait_indirect_dma semaphore(%arg22 : memref<!tpu.dma_semaphore, #tpu.memory_space<semaphore_mem>>) src(%arg14 : memref<64x128xf32, #tpu.memory_space<vmem>>) dst(%dma_wait3A_288 : memref<10112x128xf32, #tpu.memory_space<vmem_shared>>)
      } else {
      }
      %add3A_208 = arith.constant 3 : i32
      %add3A_209 = arith.addi %mul3A_165, %add3A_208 : i32
      %dma_start3A_210 = arith.constant 0 : i32
      %dma_start3A_211 = tpu.memref_slice %arg9[%add3A_209, %dma_start3A_210] : memref<40x64xi32, #tpu.memory_space<vmem>> -> memref<1x64xi32, #tpu.memory_space<vmem>>
      %dma_start3A_212 = tpu.memref_squeeze %dma_start3A_211 : memref<1x64xi32, #tpu.memory_space<vmem>> -> memref<64xi32, #tpu.memory_space<vmem>>
      %dma_start3A_213 = arith.constant 0 : i32
      %dma_start3A_214 = arith.constant 0 : i32
      %dma_start3A_215 = tpu.memref_slice %arg2[%dma_start3A_213, %dma_start3A_214] : memref<10000x128xf32, #tpu.memory_space<hbm>> -> memref<10000x128xf32, #tpu.memory_space<hbm>>
      tpu.enqueue_indirect_dma source(%dma_start3A_215 : memref<10000x128xf32, #tpu.memory_space<hbm>>) target(%arg14 : memref<64x128xf32, #tpu.memory_space<vmem>>) offsets(%dma_start3A_212 : memref<64xi32, #tpu.memory_space<vmem>>) semaphore(%arg18 : memref<!tpu.dma_semaphore, #tpu.memory_space<semaphore_mem>>)
      %add3A_216 = arith.constant 0 : i32
      %add3A_217 = arith.addi %mul3A_165, %add3A_216 : i32
      %dma_wait3A_218 = arith.constant 0 : i32
      %dma_wait3A_219 = tpu.memref_slice %arg9[%add3A_217, %dma_wait3A_218] : memref<40x64xi32, #tpu.memory_space<vmem>> -> memref<1x64xi32, #tpu.memory_space<vmem>>
      %dma_wait3A_220 = tpu.memref_squeeze %dma_wait3A_219 : memref<1x64xi32, #tpu.memory_space<vmem>> -> memref<64xi32, #tpu.memory_space<vmem>>
      %dma_wait3A_221 = arith.constant 0 : i32
      %dma_wait3A_222 = arith.constant 0 : i32
      %dma_wait3A_223 = tpu.memref_slice %arg2[%dma_wait3A_221, %dma_wait3A_222] : memref<10000x128xf32, #tpu.memory_space<hbm>> -> memref<10000x128xf32, #tpu.memory_space<hbm>>
      tpu.wait_indirect_dma semaphore(%arg15 : memref<!tpu.dma_semaphore, #tpu.memory_space<semaphore_mem>>) src(%dma_wait3A_223 : memref<10000x128xf32, #tpu.memory_space<hbm>>) dst(%arg11 : memref<64x128xf32, #tpu.memory_space<vmem>>)
      %add3A_224 = arith.constant 0 : i32
      %add3A_225 = arith.addi %mul3A_165, %add3A_224 : i32
      %dma_start3A_226 = arith.constant 0 : i32
      %dma_start3A_227 = tpu.memref_slice %arg10[%add3A_225, %dma_start3A_226] : memref<40x64xi32, #tpu.memory_space<vmem>> -> memref<1x64xi32, #tpu.memory_space<vmem>>
      %dma_start3A_228 = tpu.memref_squeeze %dma_start3A_227 : memref<1x64xi32, #tpu.memory_space<vmem>> -> memref<64xi32, #tpu.memory_space<vmem>>
      %dma_start3A_229 = arith.constant 0 : i32
      %dma_start3A_230 = arith.constant 0 : i32
      %dma_start3A_231 = tpu.memref_slice %arg8[%dma_start3A_229, %dma_start3A_230] : memref<10112x128xf32, #tpu.memory_space<vmem_shared>> -> memref<10112x128xf32, #tpu.memory_space<vmem_shared>>
      tpu.enqueue_indirect_dma source(%arg11 : memref<64x128xf32, #tpu.memory_space<vmem>>) target(%dma_start3A_231 : memref<10112x128xf32, #tpu.memory_space<vmem_shared>>) offsets(%dma_start3A_228 : memref<64xi32, #tpu.memory_space<vmem>>) semaphore(%arg19 : memref<!tpu.dma_semaphore, #tpu.memory_space<semaphore_mem>>) {add = true}
      %add3A_232 = arith.constant 1 : i32
      %add3A_233 = arith.addi %mul3A_165, %add3A_232 : i32
      %dma_wait3A_234 = arith.constant 0 : i32
      %dma_wait3A_235 = tpu.memref_slice %arg9[%add3A_233, %dma_wait3A_234] : memref<40x64xi32, #tpu.memory_space<vmem>> -> memref<1x64xi32, #tpu.memory_space<vmem>>
      %dma_wait3A_236 = tpu.memref_squeeze %dma_wait3A_235 : memref<1x64xi32, #tpu.memory_space<vmem>> -> memref<64xi32, #tpu.memory_space<vmem>>
      %dma_wait3A_237 = arith.constant 0 : i32
      %dma_wait3A_238 = arith.constant 0 : i32
      %dma_wait3A_239 = tpu.memref_slice %arg2[%dma_wait3A_237, %dma_wait3A_238] : memref<10000x128xf32, #tpu.memory_space<hbm>> -> memref<10000x128xf32, #tpu.memory_space<hbm>>
      tpu.wait_indirect_dma semaphore(%arg16 : memref<!tpu.dma_semaphore, #tpu.memory_space<semaphore_mem>>) src(%dma_wait3A_239 : memref<10000x128xf32, #tpu.memory_space<hbm>>) dst(%arg12 : memref<64x128xf32, #tpu.memory_space<vmem>>)
      %add3A_240 = arith.constant 1 : i32
      %add3A_241 = arith.addi %mul3A_165, %add3A_240 : i32
      %dma_start3A_242 = arith.constant 0 : i32
      %dma_start3A_243 = tpu.memref_slice %arg10[%add3A_241, %dma_start3A_242] : memref<40x64xi32, #tpu.memory_space<vmem>> -> memref<1x64xi32, #tpu.memory_space<vmem>>
      %dma_start3A_244 = tpu.memref_squeeze %dma_start3A_243 : memref<1x64xi32, #tpu.memory_space<vmem>> -> memref<64xi32, #tpu.memory_space<vmem>>
      %dma_start3A_245 = arith.constant 0 : i32
      %dma_start3A_246 = arith.constant 0 : i32
      %dma_start3A_247 = tpu.memref_slice %arg8[%dma_start3A_245, %dma_start3A_246] : memref<10112x128xf32, #tpu.memory_space<vmem_shared>> -> memref<10112x128xf32, #tpu.memory_space<vmem_shared>>
      tpu.enqueue_indirect_dma source(%arg12 : memref<64x128xf32, #tpu.memory_space<vmem>>) target(%dma_start3A_247 : memref<10112x128xf32, #tpu.memory_space<vmem_shared>>) offsets(%dma_start3A_244 : memref<64xi32, #tpu.memory_space<vmem>>) semaphore(%arg20 : memref<!tpu.dma_semaphore, #tpu.memory_space<semaphore_mem>>) {add = true}
      %add3A_248 = arith.constant 2 : i32
      %add3A_249 = arith.addi %mul3A_165, %add3A_248 : i32
      %dma_wait3A_250 = arith.constant 0 : i32
      %dma_wait3A_251 = tpu.memref_slice %arg9[%add3A_249, %dma_wait3A_250] : memref<40x64xi32, #tpu.memory_space<vmem>> -> memref<1x64xi32, #tpu.memory_space<vmem>>
      %dma_wait3A_252 = tpu.memref_squeeze %dma_wait3A_251 : memref<1x64xi32, #tpu.memory_space<vmem>> -> memref<64xi32, #tpu.memory_space<vmem>>
      %dma_wait3A_253 = arith.constant 0 : i32
      %dma_wait3A_254 = arith.constant 0 : i32
      %dma_wait3A_255 = tpu.memref_slice %arg2[%dma_wait3A_253, %dma_wait3A_254] : memref<10000x128xf32, #tpu.memory_space<hbm>> -> memref<10000x128xf32, #tpu.memory_space<hbm>>
      tpu.wait_indirect_dma semaphore(%arg17 : memref<!tpu.dma_semaphore, #tpu.memory_space<semaphore_mem>>) src(%dma_wait3A_255 : memref<10000x128xf32, #tpu.memory_space<hbm>>) dst(%arg13 : memref<64x128xf32, #tpu.memory_space<vmem>>)
      %add3A_256 = arith.constant 2 : i32
      %add3A_257 = arith.addi %mul3A_165, %add3A_256 : i32
      %dma_start3A_258 = arith.constant 0 : i32
      %dma_start3A_259 = tpu.memref_slice %arg10[%add3A_257, %dma_start3A_258] : memref<40x64xi32, #tpu.memory_space<vmem>> -> memref<1x64xi32, #tpu.memory_space<vmem>>
      %dma_start3A_260 = tpu.memref_squeeze %dma_start3A_259 : memref<1x64xi32, #tpu.memory_space<vmem>> -> memref<64xi32, #tpu.memory_space<vmem>>
      %dma_start3A_261 = arith.constant 0 : i32
      %dma_start3A_262 = arith.constant 0 : i32
      %dma_start3A_263 = tpu.memref_slice %arg8[%dma_start3A_261, %dma_start3A_262] : memref<10112x128xf32, #tpu.memory_space<vmem_shared>> -> memref<10112x128xf32, #tpu.memory_space<vmem_shared>>
      tpu.enqueue_indirect_dma source(%arg13 : memref<64x128xf32, #tpu.memory_space<vmem>>) target(%dma_start3A_263 : memref<10112x128xf32, #tpu.memory_space<vmem_shared>>) offsets(%dma_start3A_260 : memref<64xi32, #tpu.memory_space<vmem>>) semaphore(%arg21 : memref<!tpu.dma_semaphore, #tpu.memory_space<semaphore_mem>>) {add = true}
      %add3A_264 = arith.constant 3 : i32
      %add3A_265 = arith.addi %mul3A_165, %add3A_264 : i32
      %dma_wait3A_266 = arith.constant 0 : i32
      %dma_wait3A_267 = tpu.memref_slice %arg9[%add3A_265, %dma_wait3A_266] : memref<40x64xi32, #tpu.memory_space<vmem>> -> memref<1x64xi32, #tpu.memory_space<vmem>>
      %dma_wait3A_268 = tpu.memref_squeeze %dma_wait3A_267 : memref<1x64xi32, #tpu.memory_space<vmem>> -> memref<64xi32, #tpu.memory_space<vmem>>
      %dma_wait3A_269 = arith.constant 0 : i32
      %dma_wait3A_270 = arith.constant 0 : i32
      %dma_wait3A_271 = tpu.memref_slice %arg2[%dma_wait3A_269, %dma_wait3A_270] : memref<10000x128xf32, #tpu.memory_space<hbm>> -> memref<10000x128xf32, #tpu.memory_space<hbm>>
      tpu.wait_indirect_dma semaphore(%arg18 : memref<!tpu.dma_semaphore, #tpu.memory_space<semaphore_mem>>) src(%dma_wait3A_271 : memref<10000x128xf32, #tpu.memory_space<hbm>>) dst(%arg14 : memref<64x128xf32, #tpu.memory_space<vmem>>)
      %add3A_272 = arith.constant 3 : i32
      %add3A_273 = arith.addi %mul3A_165, %add3A_272 : i32
      %dma_start3A_274 = arith.constant 0 : i32
      %dma_start3A_275 = tpu.memref_slice %arg10[%add3A_273, %dma_start3A_274] : memref<40x64xi32, #tpu.memory_space<vmem>> -> memref<1x64xi32, #tpu.memory_space<vmem>>
      %dma_start3A_276 = tpu.memref_squeeze %dma_start3A_275 : memref<1x64xi32, #tpu.memory_space<vmem>> -> memref<64xi32, #tpu.memory_space<vmem>>
      %dma_start3A_277 = arith.constant 0 : i32
      %dma_start3A_278 = arith.constant 0 : i32
      %dma_start3A_279 = tpu.memref_slice %arg8[%dma_start3A_277, %dma_start3A_278] : memref<10112x128xf32, #tpu.memory_space<vmem_shared>> -> memref<10112x128xf32, #tpu.memory_space<vmem_shared>>
      tpu.enqueue_indirect_dma source(%arg14 : memref<64x128xf32, #tpu.memory_space<vmem>>) target(%dma_start3A_279 : memref<10112x128xf32, #tpu.memory_space<vmem_shared>>) offsets(%dma_start3A_276 : memref<64xi32, #tpu.memory_space<vmem>>) semaphore(%arg22 : memref<!tpu.dma_semaphore, #tpu.memory_space<semaphore_mem>>) {add = true}
    }
    %scan3A_126 = arith.constant 10 : i32
    %dma_wait3A_127 = arith.constant 36 : i32
    %dma_wait3A_128 = arith.constant 0 : i32
    %dma_wait3A_129 = tpu.memref_slice %arg10[%dma_wait3A_127, %dma_wait3A_128] : memref<40x64xi32, #tpu.memory_space<vmem>> -> memref<1x64xi32, #tpu.memory_space<vmem>>
    %dma_wait3A_130 = tpu.memref_squeeze %dma_wait3A_129 : memref<1x64xi32, #tpu.memory_space<vmem>> -> memref<64xi32, #tpu.memory_space<vmem>>
    %dma_wait3A_131 = arith.constant 0 : i32
    %dma_wait3A_132 = arith.constant 0 : i32
    %dma_wait3A_133 = tpu.memref_slice %arg8[%dma_wait3A_131, %dma_wait3A_132] : memref<10112x128xf32, #tpu.memory_space<vmem_shared>> -> memref<10112x128xf32, #tpu.memory_space<vmem_shared>>
    tpu.wait_indirect_dma semaphore(%arg19 : memref<!tpu.dma_semaphore, #tpu.memory_space<semaphore_mem>>) src(%arg11 : memref<64x128xf32, #tpu.memory_space<vmem>>) dst(%dma_wait3A_133 : memref<10112x128xf32, #tpu.memory_space<vmem_shared>>)
    %dma_wait3A_134 = arith.constant 37 : i32
    %dma_wait3A_135 = arith.constant 0 : i32
    %dma_wait3A_136 = tpu.memref_slice %arg10[%dma_wait3A_134, %dma_wait3A_135] : memref<40x64xi32, #tpu.memory_space<vmem>> -> memref<1x64xi32, #tpu.memory_space<vmem>>
    %dma_wait3A_137 = tpu.memref_squeeze %dma_wait3A_136 : memref<1x64xi32, #tpu.memory_space<vmem>> -> memref<64xi32, #tpu.memory_space<vmem>>
    %dma_wait3A_138 = arith.constant 0 : i32
    %dma_wait3A_139 = arith.constant 0 : i32
    %dma_wait3A_140 = tpu.memref_slice %arg8[%dma_wait3A_138, %dma_wait3A_139] : memref<10112x128xf32, #tpu.memory_space<vmem_shared>> -> memref<10112x128xf32, #tpu.memory_space<vmem_shared>>
    tpu.wait_indirect_dma semaphore(%arg20 : memref<!tpu.dma_semaphore, #tpu.memory_space<semaphore_mem>>) src(%arg12 : memref<64x128xf32, #tpu.memory_space<vmem>>) dst(%dma_wait3A_140 : memref<10112x128xf32, #tpu.memory_space<vmem_shared>>)
    %dma_wait3A_141 = arith.constant 38 : i32
    %dma_wait3A_142 = arith.constant 0 : i32
    %dma_wait3A_143 = tpu.memref_slice %arg10[%dma_wait3A_141, %dma_wait3A_142] : memref<40x64xi32, #tpu.memory_space<vmem>> -> memref<1x64xi32, #tpu.memory_space<vmem>>
    %dma_wait3A_144 = tpu.memref_squeeze %dma_wait3A_143 : memref<1x64xi32, #tpu.memory_space<vmem>> -> memref<64xi32, #tpu.memory_space<vmem>>
    %dma_wait3A_145 = arith.constant 0 : i32
    %dma_wait3A_146 = arith.constant 0 : i32
    %dma_wait3A_147 = tpu.memref_slice %arg8[%dma_wait3A_145, %dma_wait3A_146] : memref<10112x128xf32, #tpu.memory_space<vmem_shared>> -> memref<10112x128xf32, #tpu.memory_space<vmem_shared>>
    tpu.wait_indirect_dma semaphore(%arg21 : memref<!tpu.dma_semaphore, #tpu.memory_space<semaphore_mem>>) src(%arg13 : memref<64x128xf32, #tpu.memory_space<vmem>>) dst(%dma_wait3A_147 : memref<10112x128xf32, #tpu.memory_space<vmem_shared>>)
    %dma_wait3A_148 = arith.constant 39 : i32
    %dma_wait3A_149 = arith.constant 0 : i32
    %dma_wait3A_150 = tpu.memref_slice %arg10[%dma_wait3A_148, %dma_wait3A_149] : memref<40x64xi32, #tpu.memory_space<vmem>> -> memref<1x64xi32, #tpu.memory_space<vmem>>
    %dma_wait3A_151 = tpu.memref_squeeze %dma_wait3A_150 : memref<1x64xi32, #tpu.memory_space<vmem>> -> memref<64xi32, #tpu.memory_space<vmem>>
    %dma_wait3A_152 = arith.constant 0 : i32
    %dma_wait3A_153 = arith.constant 0 : i32
    %dma_wait3A_154 = tpu.memref_slice %arg8[%dma_wait3A_152, %dma_wait3A_153] : memref<10112x128xf32, #tpu.memory_space<vmem_shared>> -> memref<10112x128xf32, #tpu.memory_space<vmem_shared>>
    tpu.wait_indirect_dma semaphore(%arg22 : memref<!tpu.dma_semaphore, #tpu.memory_space<semaphore_mem>>) src(%arg14 : memref<64x128xf32, #tpu.memory_space<vmem>>) dst(%dma_wait3A_154 : memref<10112x128xf32, #tpu.memory_space<vmem_shared>>)
    %barrier3A_155 = arith.constant 0 : index
    tpu.barrier barrier_id(%barrier3A_155)
    %eq3A = arith.constant 0 : i32
    %eq3A_156 = arith.cmpi eq, %arg0, %eq3A : i32
    %convert_element_type3A = arith.extui %eq3A_156 : i1 to i32
    %cond3A = arith.constant 0 : i32
    %cond3A_157 = arith.cmpi ne, %convert_element_type3A, %cond3A : i32
    scf.if %cond3A_157 {
      "tpu.region"() ({
        %run_scoped3A = tpu.sem_alloc : memref<!tpu.dma_semaphore, #tpu.memory_space<semaphore_mem>>
        %dma_start3A = arith.constant 0 : i32
        %dma_start3A_163 = tpu.memref_slice %arg6[%mul3A_2, %dma_start3A] : memref<10112x128xf32, #tpu.memory_space<hbm>> -> memref<632x128xf32, #tpu.memory_space<hbm>>
        %dma_start3A_164 = arith.constant 0 : i32
        %dma_start3A_165 = tpu.memref_slice %arg8[%mul3A_2, %dma_start3A_164] : memref<10112x128xf32, #tpu.memory_space<vmem_shared>> -> memref<632x128xf32, #tpu.memory_space<vmem_shared>>
        tpu.enqueue_dma source(%dma_start3A_165 : memref<632x128xf32, #tpu.memory_space<vmem_shared>>) target(%dma_start3A_163 : memref<632x128xf32, #tpu.memory_space<hbm>>) target_semaphore(%run_scoped3A : memref<!tpu.dma_semaphore, #tpu.memory_space<semaphore_mem>>)
        %dma_wait3A_166 = arith.constant 0 : i32
        %dma_wait3A_167 = tpu.memref_slice %arg6[%mul3A_2, %dma_wait3A_166] : memref<10112x128xf32, #tpu.memory_space<hbm>> -> memref<632x128xf32, #tpu.memory_space<hbm>>
        %dma_wait3A_168 = arith.constant 0 : i32
        %dma_wait3A_169 = tpu.memref_slice %arg8[%mul3A_2, %dma_wait3A_168] : memref<10112x128xf32, #tpu.memory_space<vmem_shared>> -> memref<632x128xf32, #tpu.memory_space<vmem_shared>>
        tpu.wait_dma2 semaphore(%run_scoped3A : memref<!tpu.dma_semaphore, #tpu.memory_space<semaphore_mem>>) src(%dma_wait3A_169 : memref<632x128xf32, #tpu.memory_space<vmem_shared>>) dst(%dma_wait3A_167 : memref<632x128xf32, #tpu.memory_space<hbm>>)
        tpu.yield
      }) : () -> ()
    } else {
    }
    %eq3A_158 = arith.constant 1 : i32
    %eq3A_159 = arith.cmpi eq, %arg0, %eq3A_158 : i32
    %convert_element_type3A_160 = arith.extui %eq3A_159 : i1 to i32
    %cond3A_161 = arith.constant 0 : i32
    %cond3A_162 = arith.cmpi ne, %convert_element_type3A_160, %cond3A_161 : i32
    scf.if %cond3A_162 {
      "tpu.region"() ({
        %run_scoped3A = tpu.sem_alloc : memref<!tpu.dma_semaphore, #tpu.memory_space<semaphore_mem>>
        %dma_start3A = arith.constant 0 : i32
        %dma_start3A_163 = tpu.memref_slice %arg7[%mul3A_2, %dma_start3A] : memref<10112x128xf32, #tpu.memory_space<hbm>> -> memref<632x128xf32, #tpu.memory_space<hbm>>
        %dma_start3A_164 = arith.constant 0 : i32
        %dma_start3A_165 = tpu.memref_slice %arg8[%mul3A_2, %dma_start3A_164] : memref<10112x128xf32, #tpu.memory_space<vmem_shared>> -> memref<632x128xf32, #tpu.memory_space<vmem_shared>>
        tpu.enqueue_dma source(%dma_start3A_165 : memref<632x128xf32, #tpu.memory_space<vmem_shared>>) target(%dma_start3A_163 : memref<632x128xf32, #tpu.memory_space<hbm>>) target_semaphore(%run_scoped3A : memref<!tpu.dma_semaphore, #tpu.memory_space<semaphore_mem>>)
        %dma_wait3A_166 = arith.constant 0 : i32
        %dma_wait3A_167 = tpu.memref_slice %arg7[%mul3A_2, %dma_wait3A_166] : memref<10112x128xf32, #tpu.memory_space<hbm>> -> memref<632x128xf32, #tpu.memory_space<hbm>>
        %dma_wait3A_168 = arith.constant 0 : i32
        %dma_wait3A_169 = tpu.memref_slice %arg8[%mul3A_2, %dma_wait3A_168] : memref<10112x128xf32, #tpu.memory_space<vmem_shared>> -> memref<632x128xf32, #tpu.memory_space<vmem_shared>>
        tpu.wait_dma2 semaphore(%run_scoped3A : memref<!tpu.dma_semaphore, #tpu.memory_space<semaphore_mem>>) src(%dma_wait3A_169 : memref<632x128xf32, #tpu.memory_space<vmem_shared>>) dst(%dma_wait3A_167 : memref<632x128xf32, #tpu.memory_space<hbm>>)
        tpu.yield
      }) : () -> ()
    } else {
    }
    return
  }
}

module attributes {stable_mosaic.version = 14 : i64} {
  func.func @_add_body(%arg0: i32, %arg1: memref<632x128xf32, #tpu.memory_space<vmem>>, %arg2: memref<632x128xf32, #tpu.memory_space<vmem>>, %arg3: memref<632x128xf32, #tpu.memory_space<vmem>>) attributes {dimension_semantics = [#tpu.dimension_semantics<arbitrary>], iteration_bounds = array<i64: 16>, scalar_prefetch = 0 : i64, scratch_operands = 0 : i64, tpu.core_type = #tpu.core_type<tc>, window_params = [{transform_indices = @transform_0, window_bounds = array<i64: 632, 128>}, {transform_indices = @transform_1, window_bounds = array<i64: 632, 128>}, {transform_indices = @transform_2, window_bounds = array<i64: 632, 128>}]} {
    %get3A = arith.constant 0 : index
    %get3A_0 = arith.constant 0 : index
    %get3A_1 = vector.load %arg1[%get3A, %get3A_0] : memref<632x128xf32, #tpu.memory_space<vmem>>, vector<632x128xf32>
    %get3A_2 = arith.constant 0 : index
    %get3A_3 = arith.constant 0 : index
    %get3A_4 = vector.load %arg2[%get3A_2, %get3A_3] : memref<632x128xf32, #tpu.memory_space<vmem>>, vector<632x128xf32>
    %add3A = arith.addf %get3A_1, %get3A_4 : vector<632x128xf32>
    %swap3A = arith.constant 0 : index
    %swap3A_5 = arith.constant 0 : index
    %swap3A_6 = vector.load %arg3[%swap3A, %swap3A_5] : memref<632x128xf32, #tpu.memory_space<vmem>>, vector<632x128xf32>
    tpu.vector_store %arg3[%swap3A, %swap3A_5], %add3A {strides = array<i32>} : memref<632x128xf32, #tpu.memory_space<vmem>>, vector<632x128xf32>,
    return
  }
  func.func @transform_0(%arg0: i32) -> (i32, i32) {
    %c0_i32 = arith.constant 0 : i32
    %c0_i32_0 = arith.constant 0 : i32
    return %arg0, %c0_i32 : i32, i32
  }
  func.func @transform_1(%arg0: i32) -> (i32, i32) {
    %c0_i32 = arith.constant 0 : i32
    %c0_i32_0 = arith.constant 0 : i32
    return %arg0, %c0_i32 : i32, i32
  }
  func.func @transform_2(%arg0: i32) -> (i32, i32) {
    %c0_i32 = arith.constant 0 : i32
    %c0_i32_0 = arith.constant 0 : i32
    return %arg0, %c0_i32 : i32, i32
  }
}

</mosaic_0001>

<sc_bundles>
// kernel: kernel.4.cloned.1.call-start
scs
__scs_entry_jumppad:
0x0: {  	(pc) =	sbr.rel $0x88, $3  }
0x1: {  	(tag) =	ssettag $0x0;
	lr =	simm.s32 $0x1  }
0x2: {  	[smem:$0x3F9F] =	sst lr;
	_ =	strace $0xD0000000  }
0x3: {  	_ = 	snop  }
0x4: {  	_ = 	snop  }
0x5: {  	_ = 	snop  }
0x6: {  	_ = 	snop  }
0x7: {  	_ = 	snop  }
__scs_overlays_trampoline_lowered:
0x8: {  	[smem:$0x3FAE] =	sst s0  }
0x9: {  	[smem:$0x3FAF] =	sst s1  }
0xa: {  	[smem:$0x3FB0] =	sst s2  }
0xb: {  	[smem:$0x3FB1] =	sst s3  }
0xc: {  	[smem:$0x3FB2] =	sst s4  }
0xd: {  	[smem:$0x3FB3] =	sst s5  }
0xe: {  	[smem:$0x3FB4] =	sst s6  }
0xf: {  	[smem:$0x3FB5] =	sst s7  }
0x10: {  	[smem:$0x3FB6] =	sst s8  }
0x11: {  	[smem:$0x3FB7] =	sst s9;
	s0 =	simm.s32 @!p0 $0x0  }
0x12: {  	s1 =	sld [smem:$0x3F9D];
	s0 =	simm.s32 @p0 $0x1  }
0x13: {  	[smem:$0x3FB8] =	sst s0;
	s0 =	simm.s32 @!p1 $0x0  }
0x14: {  	s2 =	sld [smem:$0x3F9C];
	s0 =	simm.s32 @p1 $0x1  }
0x15: {  	[smem:$0x3FB9] =	sst s0;
	s0 =	simm.s32 @!p2 $0x0  }
0x16: {  	s3 =	sld [smem:$0x3FDB];
	s0 =	simm.s32 @p2 $0x1  }
0x17: {  	s4 =	simm.s32 $0x1BF5;
	[smem:$0x3FBB] =	sst s0  }
0x18: {  	s0 =	sld [smem:$0x3F9E];
	_ =	swait.ge [sflag:s4], $0x0  }
0x19: {  	s7 =	sld [smem:$0x3F9F]  }
0x1a: {  	s8 =	sadd.s32 $0xFFFFE003, lr  }
0x1b: {  	s9 =	sadd.s32 $0xFFFFFEF7, lr;
	s5 =	simm.s32 $0xFFFFFFFF;
	p2 =	slt.u32 s8, $0xFFFFF086  }
0x1c: {  	p1 =	slt.u32 s9, $0xF7A;
	s5 =	simm.s32 @!p2 $0x0  }
0x1d: {  	s5 =	simm.s32 @p1 $0x1;
	p0 =	seq.s32 s7, s2  }
0x1e: {  	s7 =	smul.u32 @!p0 $0xF7A, s2;
	p2 =	seq.s32 @!p0 s5, $0x0  }
0x1f: {  	s9 =	smul.u32 $0xF7A, s1;
	s8 =	simm.s32 @!p0 $0x1BF5;
	p2 =	por !p2, p0  }
0x20: {  	[sflag:s8] =	ssyncset.s32 @!p0 $0xFFFFF086;
	s6 =	sadd.s32 @!p0 s3, s7;
	s7 =	simm.s32 @!p0 $0x108  }
0x21: {  	s3 =	sadd.s32 s3, s9;
	s6 =	sadd.s32 @!p0 $0x88, s6;
	s7 =	simm.s32 @p2 $0x1082  }
0x22: {  	[simem:s7], [sflag:s8] =	dma.local @!p0 [hbm:s6], $0xF7A  }
0x23: {  	s9 =	sor.u32 $0xD0000000, s2;
	s6 =	simm.s32 $0x108;
	_ =	swait.ge @!p0 [sflag:s8], $0x0  }
0x24: {  	s3 =	sadd.s32 $0x88, s3;
	s6 =	simm.s32 @!p1 $0x1082;
	[sflag:s4] =	ssyncset.s32 $0xFFFFF086  }
0x25: {  	[simem:s6], [sflag:s4] =	dma.local [hbm:s3], $0xF7A  }
0x26: {  	[smem:$0x3F9F] =	sst s1;
	(tag) =	ssettag s2;
	_ =	strace s9  }
0x27: {  	s1 =	sld [smem:$0x3FAF]  }
0x28: {  	s2 =	sld [smem:$0x3FB0]  }
0x29: {  	s4 =	sld [smem:$0x3FB2]  }
0x2a: {  	p0 =	seq.s32 s5, $0x0;
	s5 =	sld [smem:$0x3FB3]  }
0x2b: {  	s6 =	sld [smem:$0x3FB4]  }
0x2c: {  	s7 =	sld [smem:$0x3FB5]  }
0x2d: {  	s3 =	simm.s32 $0x108;
	s8 =	sld [smem:$0x3FB6]  }
0x2e: {  	s3 =	simm.s32 @!p0 $0x1082;
	s9 =	sld [smem:$0x3FB7]  }
0x2f: {  	lr =	sadd.s32 s0, s3;
	s0 =	sld [smem:$0x3FAE]  }
0x30: {  	s3 =	sld [smem:$0x3FB1]  }
0x31: {  	[smem:$0x3FBA] =	sst s10  }
0x32: {  	s10 =	sld [smem:$0x3FB8];
	_ =	sdelay $0x3  }
0x33: {  	p0 =	seq.s32 s10, $0x1;
	s10 =	sld [smem:$0x3FBA];
	_ =	sdelay $0x3  }
0x34: {  	[smem:$0x3FBA] =	sst s10  }
0x35: {  	s10 =	sld [smem:$0x3FB9];
	_ =	sdelay $0x3  }
0x36: {  	p1 =	seq.s32 s10, $0x1;
	s10 =	sld [smem:$0x3FBA];
	_ =	sdelay $0x3  }
0x37: {  	[smem:$0x3FBA] =	sst s10  }
0x38: {  	s10 =	sld [smem:$0x3FBB]  }
0x39: {  	_ = 	snop;
	(pc) =	sbr.ind lr, $3  }
0x3a: {  	_ = 	snop  }
0x3b: {  	_ = 	snop  }
0x3c: {  	p2 =	seq.s32 s10, $0x1;
	s10 =	sld [smem:$0x3FBA]  }
0x3d: {  	_ =	shalt  }
0x3e: {  	_ =	shalt  }
0x3f: {  	_ =	shalt  }
0x40: {  	_ =	shalt  }
0x41: {  	_ =	shalt  }
0x42: {  	_ =	shalt  }
0x43: {  	_ =	shalt  }
0x44: {  	_ =	shalt  }
0x45: {  	_ =	shalt  }
0x46: {  	_ =	shalt  }
0x47: {  	_ =	shalt  }
0x48: {  	_ =	shalt  }
0x49: {  	_ =	shalt  }
0x4a: {  	_ =	shalt  }
0x4b: {  	_ =	shalt  }
0x4c: {  	_ =	shalt  }
0x4d: {  	_ =	shalt  }
0x4e: {  	_ =	shalt  }
0x4f: {  	_ =	shalt  }
0x50: {  	_ =	shalt  }
0x51: {  	_ =	shalt  }
0x52: {  	_ =	shalt  }
0x53: {  	_ =	shalt  }
0x54: {  	_ =	shalt  }
0x55: {  	_ =	shalt  }
0x56: {  	_ =	shalt  }
0x57: {  	_ =	shalt  }
0x58: {  	_ =	shalt  }
0x59: {  	_ =	shalt  }
0x5a: {  	_ =	shalt  }
0x5b: {  	_ =	shalt  }
0x5c: {  	_ =	shalt  }
0x5d: {  	_ =	shalt  }
0x5e: {  	_ =	shalt  }
0x5f: {  	_ =	shalt  }
0x60: {  	_ =	shalt  }
0x61: {  	_ =	shalt  }
0x62: {  	_ =	shalt  }
0x63: {  	_ =	shalt  }
0x64: {  	_ =	shalt  }
0x65: {  	_ =	shalt  }
0x66: {  	_ =	shalt  }
0x67: {  	_ =	shalt  }
0x68: {  	_ =	shalt  }
0x69: {  	_ =	shalt  }
0x6a: {  	_ =	shalt  }
0x6b: {  	_ =	shalt  }
0x6c: {  	_ =	shalt  }
0x6d: {  	_ =	shalt  }
0x6e: {  	_ =	shalt  }
0x6f: {  	_ =	shalt  }
0x70: {  	_ =	shalt  }
0x71: {  	_ =	shalt  }
0x72: {  	_ =	shalt  }
0x73: {  	_ =	shalt  }
0x74: {  	_ =	shalt  }
0x75: {  	_ =	shalt  }
0x76: {  	_ =	shalt  }
0x77: {  	_ =	shalt  }
0x78: {  	_ =	shalt  }
0x79: {  	_ =	shalt  }
0x7a: {  	_ =	shalt  }
0x7b: {  	_ =	shalt  }
0x7c: {  	_ =	shalt  }
0x7d: {  	_ =	shalt  }
0x7e: {  	_ =	shalt  }
0x7f: {  	_ =	shalt  }
0x80: {  	_ =	shalt  }
0x81: {  	_ =	shalt  }
0x82: {  	_ =	shalt  }
0x83: {  	_ =	shalt  }
0x84: {  	_ =	shalt  }
0x85: {  	_ =	shalt  }
0x86: {  	_ =	shalt  }
0x87: {  	_ =	shalt  }
.Lfunc_end0:
.L_simem_size_0:
called_computation_lowered:
.L_overlay_start_0:
0x88: {  	s2 =	sld [smem:$0x3FD9]  }
0x89: {  	s3 =	sld [smem:$0x3FFE];
	_ =	sdelay $0x1  }
0x8a: {  	s1 =	srdreg.scid  }
0x8b: {  	s0 =	sand.u32 $0x1, s1  }
0x8c: {  	s17 =	sshll.u32 s0, $0xA;
	s2 =	sadd.s32 s3, s2  }
0x8d: {  	s2 =	sadd.s32 s2, s17  }
0x8e: {  	[smem:$0x3FC6] =	sst s2  }
0x8f: {  	_ = 	snop  }
0x90: {  	s2 =	sld [smem:$0x3FC9]  }
0x91: {  	s18 =	sld [smem:$0x3FD0];
	(tm) =	ssettm $0x1  }
0x92: {  	s4 =	sld [smem:$0x3FFB];
	_ =	sdelay $0x3  }
0x93: {  	_ =	strace s4  }
0x94: {  	s4 =	sld [smem:$0x3FFC];
	_ =	sdelay $0x3  }
0x95: {  	_ =	strace s4  }
0x96: {  	s4 =	sld [smem:$0x3FFD];
	_ =	sdelay $0x3  }
0x97: {  	_ =	strace s4  }
0x98: {  	_ =	strace $0x8FFFFFFF  }
0x99: {  	s19 =	sld [smem:$0x3FDB];
	_ =	sdelay $0x1  }
0x9a: {  	s5 =	simm.s32 $_scs_section_size  }
0x9b: {  	s6 =	simm.s32 $_size__tile_overlayer_lowered;
	s7 =	simm.s32 $_tile_overlayer_lowered  }
0x9c: {  	s22 =	simm.s32 $0x1BFF;
	s21 =	sshll.u32 s7, $0x1;
	s4 =	sadd.s32 s5, s19  }
0x9d: {  	s8 =	simm.s32 $0x0;
	s20 =	sshll.u32 s6, $0x1;
	s6 =	sadd.s32 s21, s4  }
0x9e: {  	[timem:s8], [sflag:s22] =	dma.local [hbm:s6], s20  }
0x9f: {  	_ =	swait.ge [sflag:s22], s20  }
0xa0: {  	s5 =	ssub.s32 $0x0, s20;
	[sflag:s22] =	ssyncset.done $0x0  }
0xa1: {  	[sflag:s22] =	ssyncadd.s32 s5;
	_ =	sdelay $0x1  }
0xa2: {  	s23 =	simm.s32 $0x1B8B  }
0xa3: {  	_ =	swait.ge [sflag:s23], $0x1  }
0xa4: {  	[sflag:s23] =	ssyncset.done $0x0  }
0xa5: {  	s25 =	simm.s32 $0x1B8E;
	s24 =	sld [smem:$0x3FFE];
	[sflag:s23] =	ssyncadd.s32 $0xFFFFFFFF  }
0xa6: {  	s26 =	simm.s32 $execute0_lowered;
	[smem:$0x3FD2] =	sst s25  }
0xa7: {  	s6 =	sshll.u32 s26, $0x1;
	_ =	strace $0x80000046;
	[dreg:$0x1] =	wrdreg $0xFFFFFFFF  }
0xa8: {  	s28 =	simm.s32 $_size_execute0_lowered;
	s4 =	sadd.s32 s4, s6;
	[dreg:$0x0] =	wrdreg $0x0  }
0xa9: {  	s6 =	sshll.u32 s28, $0x1;
	[dreg:$0x2] =	wrdreg s4  }
0xaa: {  	[dreg:$0x3] =	wrdreg s6  }
0xab: {  	[dreg:$0x4] =	wrdreg $0xC0  }
0xac: {  	_ =	task [dreg:s8], $0x5FFFF  }
0xad: {  	[dreg:$0x1] =	wrdreg $0xFFFFFFFF  }
0xae: {  	[dreg:$0x0] =	wrdreg $0x60  }
0xaf: {  	[dreg:$0x2] =	wrdreg s2  }
0xb0: {  	[dreg:$0x3] =	wrdreg s18  }
0xb1: {  	[dreg:$0x4] =	wrdreg s24  }
0xb2: {  	[dreg:$0x5] =	wrdreg $0x0  }
0xb3: {  	[dreg:$0x6] =	wrdreg $0x9  }
0xb4: {  	_ =	task.clear_ibuf [dreg:s8], $0x7FFFF;
	_ =	strace $0x90000046  }
0xb5: {  	s29 =	simm.s32 $0x9;
	_ =	strace $0x80000048  }
0xb6: {  	_ =	swait.ge [sflag:s29], $0x1  }
0xb7: {  	[sflag:s29] =	ssyncadd.s32 $0xFFFFFFFF  }
0xb8: {  	_ =	strace $0x90000048  }
0xb9: {  	_ =	sfence  }
0xba: {  	s30 =	sld [smem:$0x0];
	_ =	sdelay $0x2  }
0xbb: {  	s31 =	sshll.u32 s1, $0xD;
	s1 =	sshrl.u32 s1, $0x2  }
0xbc: {  	s3 =	sand.u32 $0x4000, s31;
	s1 =	sadd.s32 s1, s30  }
0xbd: {  	s0 =	sor.u32 s3, s0;
	s1 =	sshll.u32 s1, $0x11  }
0xbe: {  	s0 =	sor.u32 s1, s0  }
0xbf: {  	s0 =	sadd.s32 $0x8F2B, s0  }
0xc0: {  	[sflag:s0] =	ssyncadd.remote.s32 $0x1  }
0xc1: {  	_ =	sfence.sel $0xFFFF  }
0xc2: {  	[dreg:$0x0] =	wrdreg $0xFFFFFFFF;
	(pc) =	sbr.abs _section_cstart, $3  }
0xc3: {  	[dreg:$0x1] =	wrdreg $0xFFFFFFFF  }
0xc4: {  	_ =	task.clear_ibuf [dreg:s8], $0x2FFFF;
	_ =	strace $0x9FFFFFFF  }
0xc5: {  	(tm) =	ssettm $0x7FFFFFFF  }
tec
execute0_lowered:
.L_overlay_start_1:
0x0: {  	(tag) =	ssettag $0x1  }
0x1: {  	s1 =	rddreg [dreg:$0x0]  }
0x2: {  	s0 =	rddreg [dreg:$0x1]  }
0x3: {  	s3 =	rddreg [dreg:$0x2]  }
0x4: {  	s2 =	rddreg [dreg:$0x3];
	s4 =	simm.s32 $0x0  }
0x5: {  	s10 =	stileid.u32;
	s13 =	srdreg.scid;
	s28 =	simm.s32 $0x13D80  }
0x6: {  	s29 =	simm.s32 $0x1C400;
	s30 =	simm.s32 $0x1;
	s31 =	simm.s32 $0x2  }
0x7: {  	s11 =	simm.s32 $0x8;
	s12 =	simm.s32 $0x0;
	[smem:$0x7FF] =	sst s4  }
0x8: {  	s5 =	sadd.s32 $0x800, s3;
	s6 =	smul.u32 $0x2780, s10;
	s4 =	sand.u32 $0x1, s13  }
0x9: {  	s8 =	sshll.u32 s10, $0x1;
	s9 =	smul.u32 $0x4F000, s10;
	s17 =	sshll.u32 s10, $0x6  }
0xa: {  	s10 =	simm.s32 $0x7;
	_ =	strace $0x80000047;
	s7 =	ssub.s32 $0x2, s4  }
0xb: {  	s8 =	sor.u32 s4, s8;
	p0 =	seq.s32 s4, $0x1;
	s4 =	simm.s32 $0x15100  }
0xc: {  	s3 =	sadd.s32 s6, s3;
	s14 =	sshrl.u32 s7, $0x1;
	s15 =	sshrl.u32 s9, $0x2  }
0xd: {  	s16 =	smul.u32 $0x5000, s8;
	s6 =	ssub.s32 s7, s14;
	s7 =	sadd.s32 s15, s2  }
0xe: {  	s8 =	smul.u32 $0xA00, s8;
	s18 =	sadd.s32 $0x14800, s3;
	[dreg:$0x5] =	wrdreg s7  }
0xf: {  	[dreg:$0x6] =	wrdreg s18;
	s7 =	sor.u32 $0x1C09, s17;
	s9 =	sshrl.u32 s16, $0x3  }
0x10: {  	s19 =	sadd.s32 s0, s8;
	s8 =	sadd.s32 s5, s8;
	s26 =	smax.u32 s6, $0x1  }
0x11: {  	s18 =	simm.s32 $0x9;
	s6 =	simm.s32 $0x15180;
	[dreg:$0x7] =	wrdreg s19  }
0x12: {  	[dreg:$0x8] =	wrdreg s8;
	s20 =	sadd.s32 $0x280, s9;
	s22 =	sadd.s32 $0x500, s9  }
0x13: {  	s24 =	sadd.s32 $0x780, s9;
	[dreg:$0xf] =	wrdreg s26;
	s19 =	simm.s32 $0x13C00  }
0x14: {  	s26 =	simm.s32 $0x1A400;
	s9 =	simm.s32 $0x6;
	s21 =	sadd.s32 s0, s20  }
0x15: {  	s8 =	sadd.s32 s5, s20;
	s23 =	sadd.s32 s0, s22;
	[dreg:$0x9] =	wrdreg s21  }
0x16: {  	s0 =	sadd.s32 s0, s24;
	s25 =	sadd.s32 s5, s24;
	[dreg:$0xa] =	wrdreg s8  }
0x17: {  	s20 =	simm.s32 $0x15000;
	s24 =	simm.s32 $0x18400;
	[dreg:$0xb] =	wrdreg s23  }
0x18: {  	s8 =	sadd.s32 s5, s22;
	[dreg:$0xd] =	wrdreg s0;
	s0 =	simm.s32 $0x63800  }
0x19: {  	[dreg:$0xe] =	wrdreg s25;
	s21 =	simm.s32 $0x40;
	s22 =	simm.s32 $0x16400  }
0x1a: {  	s23 =	simm.s32 $0x13C80;
	s25 =	simm.s32 $0x13D00;
	s5 =	simm.s32 $0x4  }
0x1b: {  	[dreg:$0xc] =	wrdreg s8;
	s0 =	simm.s32 @!p0 $0x3C000;
	s8 =	simm.s32 $0x5  }
0x1c: {  	s17 =	sadd.s32 s0, s3;
	s0 =	simm.s32 $0x15080;
	s3 =	simm.s32 $0x3  }
.LBB2_1:
0x1d: {  	s13 =	rddreg [dreg:$0x5]  }
0x1e: {  	s14 =	rddreg [dreg:$0x6];
	s13 =	sshrl.u32 s13, $0x3  }
0x1f: {  	[spmem:s13], [sflag:s7] =	dma.local [hbm:s14], $0x2780  }
0x20: {  	_ =	swait.ge [sflag:s18], $0x2780  }
0x21: {  	[sflag:s18] =	ssyncset.done $0x0  }
0x22: {  	[sflag:s18] =	ssyncadd.s32 $0xFFFFD880  }
0x23: {  	[bflag:$0x0] =	sbarrier.arrive $0xFFFF  }
0x24: {  	s14 =	simm.s32 $0x0;
	s15 =	rddreg [dreg:$0x7]  }
0x25: {  	[tilespmem:s19], [sflag:$0x9] =	stream.linear.gather [hbm4b:s15+s14], $0x1400, $0x38;
	[tilespmem:$0x1E400] =	vst v63  }
0x26: {  	_ =	swait.ge [sflag:s18], $0x1400  }
0x27: {  	[sflag:s18] =	ssyncset.done $0x0  }
0x28: {  	s16 =	rddreg [dreg:$0x8];
	[sflag:s18] =	ssyncadd.s32 $0xFFFFEC00  }
0x29: {  	[tilespmem:s20], [sflag:$0x9] =	stream.linear.gather [hbm4b:s16+s14], $0x1400, $0x38;
	[tilespmem:$0x1E400] =	vst v63  }
0x2a: {  	_ =	swait.ge [sflag:s18], $0x1400  }
0x2b: {  	[sflag:s18] =	ssyncset.done $0x0  }
0x2c: {  	[sflag:s18] =	ssyncadd.s32 $0xFFFFEC00  }
0x2d: {  	[tilespmem:s22], [sflag:$0x1] =	stream.indirect.gather [hbm4b:s1+s21], $0x80, s19, s21, $0xb8;
	[tilespmem:$0x1E400] =	vst v63  }
0x2e: {  	_ = 	snop  }
0x2f: {  	[tilespmem:s24], [sflag:$0x2] =	stream.indirect.gather [hbm4b:s1+s21], $0x80, s23, s21, $0xb8;
	[tilespmem:$0x1E400] =	vst v63  }
0x30: {  	_ = 	snop  }
0x31: {  	[tilespmem:s26], [sflag:$0x3] =	stream.indirect.gather [hbm4b:s1+s21], $0x80, s25, s21, $0xb8;
	[tilespmem:$0x1E400] =	vst v63  }
0x32: {  	_ = 	snop  }
0x33: {  	[tilespmem:s29], [sflag:$0x4] =	stream.indirect.gather [hbm4b:s1+s21], $0x80, s28, s21, $0xb8;
	[tilespmem:$0x1E400] =	vst v63  }
0x34: {  	_ =	swait.ge [sflag:s30], $0x2000  }
0x35: {  	[sflag:s30] =	ssyncset.done $0x0  }
0x36: {  	[sflag:s30] =	ssyncadd.s32 $0xFFFFE000  }
0x37: {  	[spmem:s2] =	stream.indirect.scatter.add.f32 [tilespmem:s22], [sflag:$0x5], $0x80, s20, s21, $0xb8;
	[tilespmem:$0x1E400] =	vst v63  }
0x38: {  	_ =	swait.ge [sflag:s31], $0x2000  }
0x39: {  	[sflag:s31] =	ssyncset.done $0x0  }
0x3a: {  	[sflag:s31] =	ssyncadd.s32 $0xFFFFE000  }
0x3b: {  	[spmem:s2] =	stream.indirect.scatter.add.f32 [tilespmem:s24], [sflag:$0x6], $0x80, s0, s21, $0xb8;
	[tilespmem:$0x1E400] =	vst v63  }
0x3c: {  	_ =	swait.ge [sflag:s3], $0x2000  }
0x3d: {  	[sflag:s3] =	ssyncset.done $0x0  }
0x3e: {  	[sflag:s3] =	ssyncadd.s32 $0xFFFFE000  }
0x3f: {  	[spmem:s2] =	stream.indirect.scatter.add.f32 [tilespmem:s26], [sflag:$0x7], $0x80, s4, s21, $0xb8;
	[tilespmem:$0x1E400] =	vst v63  }
0x40: {  	_ =	swait.ge [sflag:s5], $0x2000  }
0x41: {  	[sflag:s5] =	ssyncset.done $0x0  }
0x42: {  	[sflag:s5] =	ssyncadd.s32 $0xFFFFE000  }
0x43: {  	[spmem:s2] =	stream.indirect.scatter.add.f32 [tilespmem:s29], [sflag:$0x8], $0x80, s6, s21, $0xb8;
	[tilespmem:$0x1E400] =	vst v63  }
0x44: {  	_ =	swait.ge [sflag:s8], $0x2000  }
0x45: {  	[sflag:s8] =	ssyncset.done $0x0  }
0x46: {  	s16 =	simm.s32 $0x13E00;
	[sflag:s8] =	ssyncadd.s32 $0xFFFFE000  }
0x47: {  	[tilespmem:s22], [sflag:$0x1] =	stream.indirect.gather [hbm4b:s1+s21], $0x80, s16, s21, $0xb8;
	[tilespmem:$0x1E400] =	vst v63  }
0x48: {  	_ =	swait.ge [sflag:s9], $0x2000  }
0x49: {  	[sflag:s9] =	ssyncset.done $0x0  }
0x4a: {  	s15 =	simm.s32 $0x13E80;
	[sflag:s9] =	ssyncadd.s32 $0xFFFFE000  }
0x4b: {  	[tilespmem:s24], [sflag:$0x2] =	stream.indirect.gather [hbm4b:s1+s21], $0x80, s15, s21, $0xb8;
	[tilespmem:$0x1E400] =	vst v63  }
0x4c: {  	_ =	swait.ge [sflag:s10], $0x2000  }
0x4d: {  	[sflag:s10] =	ssyncset.done $0x0  }
0x4e: {  	s16 =	simm.s32 $0x13F00;
	[sflag:s10] =	ssyncadd.s32 $0xFFFFE000  }
0x4f: {  	[tilespmem:s26], [sflag:$0x3] =	stream.indirect.gather [hbm4b:s1+s21], $0x80, s16, s21, $0xb8;
	[tilespmem:$0x1E400] =	vst v63  }
0x50: {  	_ =	swait.ge [sflag:s11], $0x2000  }
0x51: {  	[sflag:s11] =	ssyncset.done $0x0  }
0x52: {  	s15 =	simm.s32 $0x13F80;
	[sflag:s11] =	ssyncadd.s32 $0xFFFFE000  }
0x53: {  	[tilespmem:s29], [sflag:$0x4] =	stream.indirect.gather [hbm4b:s1+s21], $0x80, s15, s21, $0xb8;
	[tilespmem:$0x1E400] =	vst v63  }
0x54: {  	_ =	swait.ge [sflag:s30], $0x2000  }
0x55: {  	[sflag:s30] =	ssyncset.done $0x0  }
0x56: {  	s16 =	simm.s32 $0x15200;
	[sflag:s30] =	ssyncadd.s32 $0xFFFFE000  }
0x57: {  	[spmem:s2] =	stream.indirect.scatter.add.f32 [tilespmem:s22], [sflag:$0x5], $0x80, s16, s21, $0xb8;
	[tilespmem:$0x1E400] =	vst v63  }
0x58: {  	_ =	swait.ge [sflag:s31], $0x2000  }
0x59: {  	[sflag:s31] =	ssyncset.done $0x0  }
0x5a: {  	s15 =	simm.s32 $0x15280;
	[sflag:s31] =	ssyncadd.s32 $0xFFFFE000  }
0x5b: {  	[spmem:s2] =	stream.indirect.scatter.add.f32 [tilespmem:s24], [sflag:$0x6], $0x80, s15, s21, $0xb8;
	[tilespmem:$0x1E400] =	vst v63  }
0x5c: {  	_ =	swait.ge [sflag:s3], $0x2000  }
0x5d: {  	[sflag:s3] =	ssyncset.done $0x0  }
0x5e: {  	s16 =	simm.s32 $0x15300;
	[sflag:s3] =	ssyncadd.s32 $0xFFFFE000  }
0x5f: {  	[spmem:s2] =	stream.indirect.scatter.add.f32 [tilespmem:s26], [sflag:$0x7], $0x80, s16, s21, $0xb8;
	[tilespmem:$0x1E400] =	vst v63  }
0x60: {  	_ =	swait.ge [sflag:s5], $0x2000  }
0x61: {  	[sflag:s5] =	ssyncset.done $0x0  }
0x62: {  	s14 =	simm.s32 $0x800;
	s15 =	simm.s32 $0x15380;
	[sflag:s5] =	ssyncadd.s32 $0xFFFFE000  }
.LBB2_2:
0x63: {  	[spmem:s2] =	stream.indirect.scatter.add.f32 [tilespmem:s29], [sflag:$0x8], $0x80, s15, s21, $0xb8;
	[tilespmem:$0x1E400] =	vst v63  }
0x64: {  	s15 =	smov.u32 s14  }
0x65: {  	p0 =	sne.s32 s14, $0x4000;
	s14 =	sadd.s32 $0x800, s14;
	_ =	swait.ge [sflag:s8], $0x2000  }
0x66: {  	s15 =	sshra.s32 s15, $0x2;
	[sflag:s8] =	ssyncset.done $0x0  }
0x67: {  	s16 =	sadd.s32 $0x13E00, s15;
	[sflag:s8] =	ssyncadd.s32 $0xFFFFE000  }
0x68: {  	[tilespmem:s22], [sflag:$0x1] =	stream.indirect.gather [hbm4b:s1+s21], $0x80, s16, s21, $0xb8;
	[tilespmem:$0x1E400] =	vst v63  }
0x69: {  	_ =	swait.ge [sflag:s9], $0x2000  }
0x6a: {  	[sflag:s9] =	ssyncset.done $0x0  }
0x6b: {  	s16 =	sadd.s32 $0x13E80, s15;
	[sflag:s9] =	ssyncadd.s32 $0xFFFFE000  }
0x6c: {  	[tilespmem:s24], [sflag:$0x2] =	stream.indirect.gather [hbm4b:s1+s21], $0x80, s16, s21, $0xb8;
	[tilespmem:$0x1E400] =	vst v63  }
0x6d: {  	_ =	swait.ge [sflag:s10], $0x2000  }
0x6e: {  	[sflag:s10] =	ssyncset.done $0x0  }
0x6f: {  	s16 =	sadd.s32 $0x13F00, s15;
	[sflag:s10] =	ssyncadd.s32 $0xFFFFE000  }
0x70: {  	[tilespmem:s26], [sflag:$0x3] =	stream.indirect.gather [hbm4b:s1+s21], $0x80, s16, s21, $0xb8;
	[tilespmem:$0x1E400] =	vst v63  }
0x71: {  	_ =	swait.ge [sflag:s11], $0x2000  }
0x72: {  	[sflag:s11] =	ssyncset.done $0x0  }
0x73: {  	s16 =	sadd.s32 $0x13F80, s15;
	[sflag:s11] =	ssyncadd.s32 $0xFFFFE000  }
0x74: {  	[tilespmem:s29], [sflag:$0x4] =	stream.indirect.gather [hbm4b:s1+s21], $0x80, s16, s21, $0xb8;
	[tilespmem:$0x1E400] =	vst v63  }
0x75: {  	_ =	swait.ge [sflag:s30], $0x2000  }
0x76: {  	[sflag:s30] =	ssyncset.done $0x0  }
0x77: {  	s16 =	sadd.s32 $0x15200, s15;
	[sflag:s30] =	ssyncadd.s32 $0xFFFFE000  }
0x78: {  	[spmem:s2] =	stream.indirect.scatter.add.f32 [tilespmem:s22], [sflag:$0x5], $0x80, s16, s21, $0xb8;
	[tilespmem:$0x1E400] =	vst v63  }
0x79: {  	_ =	swait.ge [sflag:s31], $0x2000  }
0x7a: {  	[sflag:s31] =	ssyncset.done $0x0  }
0x7b: {  	s16 =	sadd.s32 $0x15280, s15;
	[sflag:s31] =	ssyncadd.s32 $0xFFFFE000  }
0x7c: {  	[spmem:s2] =	stream.indirect.scatter.add.f32 [tilespmem:s24], [sflag:$0x6], $0x80, s16, s21, $0xb8;
	[tilespmem:$0x1E400] =	vst v63  }
0x7d: {  	_ =	swait.ge [sflag:s3], $0x2000  }
0x7e: {  	[sflag:s3] =	ssyncset.done $0x0  }
.Ltmp0:
0x7f: {  	s16 =	sadd.s32 $0x15300, s15;
	[sflag:s3] =	ssyncadd.s32 $0xFFFFE000;
	(pc) =	sbr.rel @p0 .LBB2_2-.Ltmp0, $4  }
0x80: {  	[spmem:s2] =	stream.indirect.scatter.add.f32 [tilespmem:s26], [sflag:$0x7], $0x80, s16, s21, $0xb8;
	[tilespmem:$0x1E400] =	vst v63  }
0x81: {  	_ =	swait.ge [sflag:s5], $0x2000  }
0x82: {  	[sflag:s5] =	ssyncset.done $0x0  }
0x83: {  	s15 =	sadd.s32 $0x15380, s15;
	[sflag:s5] =	ssyncadd.s32 $0xFFFFE000  }
0x84: {  	[spmem:s2] =	stream.indirect.scatter.add.f32 [tilespmem:s29], [sflag:$0x8], $0x80, s15, s21, $0xb8;
	[tilespmem:$0x1E400] =	vst v63  }
0x85: {  	_ =	swait.ge [sflag:s8], $0x2000  }
0x86: {  	[sflag:s8] =	ssyncset.done $0x0  }
0x87: {  	[sflag:s8] =	ssyncadd.s32 $0xFFFFE000  }
0x88: {  	_ =	swait.ge [sflag:s9], $0x2000  }
0x89: {  	[sflag:s9] =	ssyncset.done $0x0  }
0x8a: {  	[sflag:s9] =	ssyncadd.s32 $0xFFFFE000  }
0x8b: {  	_ =	swait.ge [sflag:s10], $0x2000  }
0x8c: {  	[sflag:s10] =	ssyncset.done $0x0  }
0x8d: {  	[sflag:s10] =	ssyncadd.s32 $0xFFFFE000  }
0x8e: {  	_ =	swait.ge [sflag:s11], $0x2000  }
0x8f: {  	[sflag:s11] =	ssyncset.done $0x0  }
0x90: {  	s14 =	simm.s32 $0x0;
	s16 =	rddreg [dreg:$0x9];
	[sflag:s11] =	ssyncadd.s32 $0xFFFFE000  }
0x91: {  	[tilespmem:s19], [sflag:$0x9] =	stream.linear.gather [hbm4b:s16+s14], $0x1400, $0x38;
	[tilespmem:$0x1E400] =	vst v63  }
0x92: {  	_ =	swait.ge [sflag:s18], $0x1400  }
0x93: {  	[sflag:s18] =	ssyncset.done $0x0  }
0x94: {  	s16 =	rddreg [dreg:$0xa];
	[sflag:s18] =	ssyncadd.s32 $0xFFFFEC00  }
0x95: {  	[tilespmem:s20], [sflag:$0x9] =	stream.linear.gather [hbm4b:s16+s14], $0x1400, $0x38;
	[tilespmem:$0x1E400] =	vst v63  }
0x96: {  	_ =	swait.ge [sflag:s18], $0x1400  }
0x97: {  	[sflag:s18] =	ssyncset.done $0x0  }
0x98: {  	[sflag:s18] =	ssyncadd.s32 $0xFFFFEC00  }
0x99: {  	[tilespmem:s22], [sflag:$0x1] =	stream.indirect.gather [hbm4b:s1+s21], $0x80, s19, s21, $0xb8;
	[tilespmem:$0x1E400] =	vst v63  }
0x9a: {  	_ = 	snop  }
0x9b: {  	[tilespmem:s24], [sflag:$0x2] =	stream.indirect.gather [hbm4b:s1+s21], $0x80, s23, s21, $0xb8;
	[tilespmem:$0x1E400] =	vst v63  }
0x9c: {  	_ = 	snop  }
0x9d: {  	[tilespmem:s26], [sflag:$0x3] =	stream.indirect.gather [hbm4b:s1+s21], $0x80, s25, s21, $0xb8;
	[tilespmem:$0x1E400] =	vst v63  }
0x9e: {  	_ = 	snop  }
0x9f: {  	[tilespmem:s29], [sflag:$0x4] =	stream.indirect.gather [hbm4b:s1+s21], $0x80, s28, s21, $0xb8;
	[tilespmem:$0x1E400] =	vst v63  }
0xa0: {  	_ =	swait.ge [sflag:s30], $0x2000  }
0xa1: {  	[sflag:s30] =	ssyncset.done $0x0  }
0xa2: {  	[sflag:s30] =	ssyncadd.s32 $0xFFFFE000  }
0xa3: {  	[spmem:s2] =	stream.indirect.scatter.add.f32 [tilespmem:s22], [sflag:$0x5], $0x80, s20, s21, $0xb8;
	[tilespmem:$0x1E400] =	vst v63  }
0xa4: {  	_ =	swait.ge [sflag:s31], $0x2000  }
0xa5: {  	[sflag:s31] =	ssyncset.done $0x0  }
0xa6: {  	[sflag:s31] =	ssyncadd.s32 $0xFFFFE000  }
0xa7: {  	[spmem:s2] =	stream.indirect.scatter.add.f32 [tilespmem:s24], [sflag:$0x6], $0x80, s0, s21, $0xb8;
	[tilespmem:$0x1E400] =	vst v63  }
0xa8: {  	_ =	swait.ge [sflag:s3], $0x2000  }
0xa9: {  	[sflag:s3] =	ssyncset.done $0x0  }
0xaa: {  	[sflag:s3] =	ssyncadd.s32 $0xFFFFE000  }
0xab: {  	[spmem:s2] =	stream.indirect.scatter.add.f32 [tilespmem:s26], [sflag:$0x7], $0x80, s4, s21, $0xb8;
	[tilespmem:$0x1E400] =	vst v63  }
0xac: {  	_ =	swait.ge [sflag:s5], $0x2000  }
0xad: {  	[sflag:s5] =	ssyncset.done $0x0  }
0xae: {  	[sflag:s5] =	ssyncadd.s32 $0xFFFFE000  }
0xaf: {  	[spmem:s2] =	stream.indirect.scatter.add.f32 [tilespmem:s29], [sflag:$0x8], $0x80, s6, s21, $0xb8;
	[tilespmem:$0x1E400] =	vst v63  }
0xb0: {  	_ =	swait.ge [sflag:s8], $0x2000  }
0xb1: {  	[sflag:s8] =	ssyncset.done $0x0  }
0xb2: {  	s16 =	simm.s32 $0x13E00;
	[sflag:s8] =	ssyncadd.s32 $0xFFFFE000  }
0xb3: {  	[tilespmem:s22], [sflag:$0x1] =	stream.indirect.gather [hbm4b:s1+s21], $0x80, s16, s21, $0xb8;
	[tilespmem:$0x1E400] =	vst v63  }
0xb4: {  	_ =	swait.ge [sflag:s9], $0x2000  }
0xb5: {  	[sflag:s9] =	ssyncset.done $0x0  }
0xb6: {  	s15 =	simm.s32 $0x13E80;
	[sflag:s9] =	ssyncadd.s32 $0xFFFFE000  }
0xb7: {  	[tilespmem:s24], [sflag:$0x2] =	stream.indirect.gather [hbm4b:s1+s21], $0x80, s15, s21, $0xb8;
	[tilespmem:$0x1E400] =	vst v63  }
0xb8: {  	_ =	swait.ge [sflag:s10], $0x2000  }
0xb9: {  	[sflag:s10] =	ssyncset.done $0x0  }
0xba: {  	s16 =	simm.s32 $0x13F00;
	[sflag:s10] =	ssyncadd.s32 $0xFFFFE000  }
0xbb: {  	[tilespmem:s26], [sflag:$0x3] =	stream.indirect.gather [hbm4b:s1+s21], $0x80, s16, s21, $0xb8;
	[tilespmem:$0x1E400] =	vst v63  }
0xbc: {  	_ =	swait.ge [sflag:s11], $0x2000  }
0xbd: {  	[sflag:s11] =	ssyncset.done $0x0  }
0xbe: {  	s15 =	simm.s32 $0x13F80;
	[sflag:s11] =	ssyncadd.s32 $0xFFFFE000  }
0xbf: {  	[tilespmem:s29], [sflag:$0x4] =	stream.indirect.gather [hbm4b:s1+s21], $0x80, s15, s21, $0xb8;
	[tilespmem:$0x1E400] =	vst v63  }
0xc0: {  	_ =	swait.ge [sflag:s30], $0x2000  }
0xc1: {  	[sflag:s30] =	ssyncset.done $0x0  }
0xc2: {  	s16 =	simm.s32 $0x15200;
	[sflag:s30] =	ssyncadd.s32 $0xFFFFE000  }
0xc3: {  	[spmem:s2] =	stream.indirect.scatter.add.f32 [tilespmem:s22], [sflag:$0x5], $0x80, s16, s21, $0xb8;
	[tilespmem:$0x1E400] =	vst v63  }
0xc4: {  	_ =	swait.ge [sflag:s31], $0x2000  }
0xc5: {  	[sflag:s31] =	ssyncset.done $0x0  }
0xc6: {  	s15 =	simm.s32 $0x15280;
	[sflag:s31] =	ssyncadd.s32 $0xFFFFE000  }
0xc7: {  	[spmem:s2] =	stream.indirect.scatter.add.f32 [tilespmem:s24], [sflag:$0x6], $0x80, s15, s21, $0xb8;
	[tilespmem:$0x1E400] =	vst v63  }
0xc8: {  	_ =	swait.ge [sflag:s3], $0x2000  }
0xc9: {  	[sflag:s3] =	ssyncset.done $0x0  }
0xca: {  	s16 =	simm.s32 $0x15300;
	[sflag:s3] =	ssyncadd.s32 $0xFFFFE000  }
0xcb: {  	[spmem:s2] =	stream.indirect.scatter.add.f32 [tilespmem:s26], [sflag:$0x7], $0x80, s16, s21, $0xb8;
	[tilespmem:$0x1E400] =	vst v63  }
0xcc: {  	_ =	swait.ge [sflag:s5], $0x2000  }
0xcd: {  	[sflag:s5] =	ssyncset.done $0x0  }
0xce: {  	s14 =	simm.s32 $0x800;
	s15 =	simm.s32 $0x15380;
	[sflag:s5] =	ssyncadd.s32 $0xFFFFE000  }
.LBB2_4:
0xcf: {  	[spmem:s2] =	stream.indirect.scatter.add.f32 [tilespmem:s29], [sflag:$0x8], $0x80, s15, s21, $0xb8;
	[tilespmem:$0x1E400] =	vst v63  }
0xd0: {  	s15 =	smov.u32 s14  }
0xd1: {  	p0 =	sne.s32 s14, $0x4000;
	s14 =	sadd.s32 $0x800, s14;
	_ =	swait.ge [sflag:s8], $0x2000  }
0xd2: {  	s15 =	sshra.s32 s15, $0x2;
	[sflag:s8] =	ssyncset.done $0x0  }
0xd3: {  	s16 =	sadd.s32 $0x13E00, s15;
	[sflag:s8] =	ssyncadd.s32 $0xFFFFE000  }
0xd4: {  	[tilespmem:s22], [sflag:$0x1] =	stream.indirect.gather [hbm4b:s1+s21], $0x80, s16, s21, $0xb8;
	[tilespmem:$0x1E400] =	vst v63  }
0xd5: {  	_ =	swait.ge [sflag:s9], $0x2000  }
0xd6: {  	[sflag:s9] =	ssyncset.done $0x0  }
0xd7: {  	s16 =	sadd.s32 $0x13E80, s15;
	[sflag:s9] =	ssyncadd.s32 $0xFFFFE000  }
0xd8: {  	[tilespmem:s24], [sflag:$0x2] =	stream.indirect.gather [hbm4b:s1+s21], $0x80, s16, s21, $0xb8;
	[tilespmem:$0x1E400] =	vst v63  }
0xd9: {  	_ =	swait.ge [sflag:s10], $0x2000  }
0xda: {  	[sflag:s10] =	ssyncset.done $0x0  }
0xdb: {  	s16 =	sadd.s32 $0x13F00, s15;
	[sflag:s10] =	ssyncadd.s32 $0xFFFFE000  }
0xdc: {  	[tilespmem:s26], [sflag:$0x3] =	stream.indirect.gather [hbm4b:s1+s21], $0x80, s16, s21, $0xb8;
	[tilespmem:$0x1E400] =	vst v63  }
0xdd: {  	_ =	swait.ge [sflag:s11], $0x2000  }
0xde: {  	[sflag:s11] =	ssyncset.done $0x0  }
0xdf: {  	s16 =	sadd.s32 $0x13F80, s15;
	[sflag:s11] =	ssyncadd.s32 $0xFFFFE000  }
0xe0: {  	[tilespmem:s29], [sflag:$0x4] =	stream.indirect.gather [hbm4b:s1+s21], $0x80, s16, s21, $0xb8;
	[tilespmem:$0x1E400] =	vst v63  }
0xe1: {  	_ =	swait.ge [sflag:s30], $0x2000  }
0xe2: {  	[sflag:s30] =	ssyncset.done $0x0  }
0xe3: {  	s16 =	sadd.s32 $0x15200, s15;
	[sflag:s30] =	ssyncadd.s32 $0xFFFFE000  }
0xe4: {  	[spmem:s2] =	stream.indirect.scatter.add.f32 [tilespmem:s22], [sflag:$0x5], $0x80, s16, s21, $0xb8;
	[tilespmem:$0x1E400] =	vst v63  }
0xe5: {  	_ =	swait.ge [sflag:s31], $0x2000  }
0xe6: {  	[sflag:s31] =	ssyncset.done $0x0  }
0xe7: {  	s16 =	sadd.s32 $0x15280, s15;
	[sflag:s31] =	ssyncadd.s32 $0xFFFFE000  }
0xe8: {  	[spmem:s2] =	stream.indirect.scatter.add.f32 [tilespmem:s24], [sflag:$0x6], $0x80, s16, s21, $0xb8;
	[tilespmem:$0x1E400] =	vst v63  }
0xe9: {  	_ =	swait.ge [sflag:s3], $0x2000  }
0xea: {  	[sflag:s3] =	ssyncset.done $0x0  }
.Ltmp1:
0xeb: {  	s16 =	sadd.s32 $0x15300, s15;
	[sflag:s3] =	ssyncadd.s32 $0xFFFFE000;
	(pc) =	sbr.rel @p0 .LBB2_4-.Ltmp1, $4  }
0xec: {  	[spmem:s2] =	stream.indirect.scatter.add.f32 [tilespmem:s26], [sflag:$0x7], $0x80, s16, s21, $0xb8;
	[tilespmem:$0x1E400] =	vst v63  }
0xed: {  	_ =	swait.ge [sflag:s5], $0x2000  }
0xee: {  	[sflag:s5] =	ssyncset.done $0x0  }
0xef: {  	s15 =	sadd.s32 $0x15380, s15;
	[sflag:s5] =	ssyncadd.s32 $0xFFFFE000  }
0xf0: {  	[spmem:s2] =	stream.indirect.scatter.add.f32 [tilespmem:s29], [sflag:$0x8], $0x80, s15, s21, $0xb8;
	[tilespmem:$0x1E400] =	vst v63  }
0xf1: {  	_ =	swait.ge [sflag:s8], $0x2000  }
0xf2: {  	[sflag:s8] =	ssyncset.done $0x0  }
0xf3: {  	[sflag:s8] =	ssyncadd.s32 $0xFFFFE000  }
0xf4: {  	_ =	swait.ge [sflag:s9], $0x2000  }
0xf5: {  	[sflag:s9] =	ssyncset.done $0x0  }
0xf6: {  	[sflag:s9] =	ssyncadd.s32 $0xFFFFE000  }
0xf7: {  	_ =	swait.ge [sflag:s10], $0x2000  }
0xf8: {  	[sflag:s10] =	ssyncset.done $0x0  }
0xf9: {  	[sflag:s10] =	ssyncadd.s32 $0xFFFFE000  }
0xfa: {  	_ =	swait.ge [sflag:s11], $0x2000  }
0xfb: {  	[sflag:s11] =	ssyncset.done $0x0  }
0xfc: {  	s14 =	simm.s32 $0x0;
	s16 =	rddreg [dreg:$0xb];
	[sflag:s11] =	ssyncadd.s32 $0xFFFFE000  }
0xfd: {  	[tilespmem:s19], [sflag:$0x9] =	stream.linear.gather [hbm4b:s16+s14], $0x1400, $0x38;
	[tilespmem:$0x1E400] =	vst v63  }
0xfe: {  	_ =	swait.ge [sflag:s18], $0x1400  }
0xff: {  	[sflag:s18] =	ssyncset.done $0x0  }
0x100: {  	s16 =	rddreg [dreg:$0xc];
	[sflag:s18] =	ssyncadd.s32 $0xFFFFEC00  }
0x101: {  	[tilespmem:s20], [sflag:$0x9] =	stream.linear.gather [hbm4b:s16+s14], $0x1400, $0x38;
	[tilespmem:$0x1E400] =	vst v63  }
0x102: {  	_ =	swait.ge [sflag:s18], $0x1400  }
0x103: {  	[sflag:s18] =	ssyncset.done $0x0  }
0x104: {  	[sflag:s18] =	ssyncadd.s32 $0xFFFFEC00  }
0x105: {  	[tilespmem:s22], [sflag:$0x1] =	stream.indirect.gather [hbm4b:s1+s21], $0x80, s19, s21, $0xb8;
	[tilespmem:$0x1E400] =	vst v63  }
0x106: {  	_ = 	snop  }
0x107: {  	[tilespmem:s24], [sflag:$0x2] =	stream.indirect.gather [hbm4b:s1+s21], $0x80, s23, s21, $0xb8;
	[tilespmem:$0x1E400] =	vst v63  }
0x108: {  	_ = 	snop  }
0x109: {  	[tilespmem:s26], [sflag:$0x3] =	stream.indirect.gather [hbm4b:s1+s21], $0x80, s25, s21, $0xb8;
	[tilespmem:$0x1E400] =	vst v63  }
0x10a: {  	_ = 	snop  }
0x10b: {  	[tilespmem:s29], [sflag:$0x4] =	stream.indirect.gather [hbm4b:s1+s21], $0x80, s28, s21, $0xb8;
	[tilespmem:$0x1E400] =	vst v63  }
0x10c: {  	_ =	swait.ge [sflag:s30], $0x2000  }
0x10d: {  	[sflag:s30] =	ssyncset.done $0x0  }
0x10e: {  	[sflag:s30] =	ssyncadd.s32 $0xFFFFE000  }
0x10f: {  	[spmem:s2] =	stream.indirect.scatter.add.f32 [tilespmem:s22], [sflag:$0x5], $0x80, s20, s21, $0xb8;
	[tilespmem:$0x1E400] =	vst v63  }
0x110: {  	_ =	swait.ge [sflag:s31], $0x2000  }
0x111: {  	[sflag:s31] =	ssyncset.done $0x0  }
0x112: {  	[sflag:s31] =	ssyncadd.s32 $0xFFFFE000  }
0x113: {  	[spmem:s2] =	stream.indirect.scatter.add.f32 [tilespmem:s24], [sflag:$0x6], $0x80, s0, s21, $0xb8;
	[tilespmem:$0x1E400] =	vst v63  }
0x114: {  	_ =	swait.ge [sflag:s3], $0x2000  }
0x115: {  	[sflag:s3] =	ssyncset.done $0x0  }
0x116: {  	[sflag:s3] =	ssyncadd.s32 $0xFFFFE000  }
0x117: {  	[spmem:s2] =	stream.indirect.scatter.add.f32 [tilespmem:s26], [sflag:$0x7], $0x80, s4, s21, $0xb8;
	[tilespmem:$0x1E400] =	vst v63  }
0x118: {  	_ =	swait.ge [sflag:s5], $0x2000  }
0x119: {  	[sflag:s5] =	ssyncset.done $0x0  }
0x11a: {  	[sflag:s5] =	ssyncadd.s32 $0xFFFFE000  }
0x11b: {  	[spmem:s2] =	stream.indirect.scatter.add.f32 [tilespmem:s29], [sflag:$0x8], $0x80, s6, s21, $0xb8;
	[tilespmem:$0x1E400] =	vst v63  }
0x11c: {  	_ =	swait.ge [sflag:s8], $0x2000  }
0x11d: {  	[sflag:s8] =	ssyncset.done $0x0  }
0x11e: {  	s16 =	simm.s32 $0x13E00;
	[sflag:s8] =	ssyncadd.s32 $0xFFFFE000  }
0x11f: {  	[tilespmem:s22], [sflag:$0x1] =	stream.indirect.gather [hbm4b:s1+s21], $0x80, s16, s21, $0xb8;
	[tilespmem:$0x1E400] =	vst v63  }
0x120: {  	_ =	swait.ge [sflag:s9], $0x2000  }
0x121: {  	[sflag:s9] =	ssyncset.done $0x0  }
0x122: {  	s15 =	simm.s32 $0x13E80;
	[sflag:s9] =	ssyncadd.s32 $0xFFFFE000  }
0x123: {  	[tilespmem:s24], [sflag:$0x2] =	stream.indirect.gather [hbm4b:s1+s21], $0x80, s15, s21, $0xb8;
	[tilespmem:$0x1E400] =	vst v63  }
0x124: {  	_ =	swait.ge [sflag:s10], $0x2000  }
0x125: {  	[sflag:s10] =	ssyncset.done $0x0  }
0x126: {  	s16 =	simm.s32 $0x13F00;
	[sflag:s10] =	ssyncadd.s32 $0xFFFFE000  }
0x127: {  	[tilespmem:s26], [sflag:$0x3] =	stream.indirect.gather [hbm4b:s1+s21], $0x80, s16, s21, $0xb8;
	[tilespmem:$0x1E400] =	vst v63  }
0x128: {  	_ =	swait.ge [sflag:s11], $0x2000  }
0x129: {  	[sflag:s11] =	ssyncset.done $0x0  }
0x12a: {  	s15 =	simm.s32 $0x13F80;
	[sflag:s11] =	ssyncadd.s32 $0xFFFFE000  }
0x12b: {  	[tilespmem:s29], [sflag:$0x4] =	stream.indirect.gather [hbm4b:s1+s21], $0x80, s15, s21, $0xb8;
	[tilespmem:$0x1E400] =	vst v63  }
0x12c: {  	_ =	swait.ge [sflag:s30], $0x2000  }
0x12d: {  	[sflag:s30] =	ssyncset.done $0x0  }
0x12e: {  	s16 =	simm.s32 $0x15200;
	[sflag:s30] =	ssyncadd.s32 $0xFFFFE000  }
0x12f: {  	[spmem:s2] =	stream.indirect.scatter.add.f32 [tilespmem:s22], [sflag:$0x5], $0x80, s16, s21, $0xb8;
	[tilespmem:$0x1E400] =	vst v63  }
0x130: {  	_ =	swait.ge [sflag:s31], $0x2000  }
0x131: {  	[sflag:s31] =	ssyncset.done $0x0  }
0x132: {  	s15 =	simm.s32 $0x15280;
	[sflag:s31] =	ssyncadd.s32 $0xFFFFE000  }
0x133: {  	[spmem:s2] =	stream.indirect.scatter.add.f32 [tilespmem:s24], [sflag:$0x6], $0x80, s15, s21, $0xb8;
	[tilespmem:$0x1E400] =	vst v63  }
0x134: {  	_ =	swait.ge [sflag:s3], $0x2000  }
0x135: {  	[sflag:s3] =	ssyncset.done $0x0  }
0x136: {  	s16 =	simm.s32 $0x15300;
	[sflag:s3] =	ssyncadd.s32 $0xFFFFE000  }
0x137: {  	[spmem:s2] =	stream.indirect.scatter.add.f32 [tilespmem:s26], [sflag:$0x7], $0x80, s16, s21, $0xb8;
	[tilespmem:$0x1E400] =	vst v63  }
0x138: {  	_ =	swait.ge [sflag:s5], $0x2000  }
0x139: {  	[sflag:s5] =	ssyncset.done $0x0  }
0x13a: {  	s14 =	simm.s32 $0x800;
	s15 =	simm.s32 $0x15380;
	[sflag:s5] =	ssyncadd.s32 $0xFFFFE000  }
.LBB2_6:
0x13b: {  	[spmem:s2] =	stream.indirect.scatter.add.f32 [tilespmem:s29], [sflag:$0x8], $0x80, s15, s21, $0xb8;
	[tilespmem:$0x1E400] =	vst v63  }
0x13c: {  	s15 =	smov.u32 s14  }
0x13d: {  	p0 =	sne.s32 s14, $0x4000;
	s14 =	sadd.s32 $0x800, s14;
	_ =	swait.ge [sflag:s8], $0x2000  }
0x13e: {  	s15 =	sshra.s32 s15, $0x2;
	[sflag:s8] =	ssyncset.done $0x0  }
0x13f: {  	s16 =	sadd.s32 $0x13E00, s15;
	[sflag:s8] =	ssyncadd.s32 $0xFFFFE000  }
0x140: {  	[tilespmem:s22], [sflag:$0x1] =	stream.indirect.gather [hbm4b:s1+s21], $0x80, s16, s21, $0xb8;
	[tilespmem:$0x1E400] =	vst v63  }
0x141: {  	_ =	swait.ge [sflag:s9], $0x2000  }
0x142: {  	[sflag:s9] =	ssyncset.done $0x0  }
0x143: {  	s16 =	sadd.s32 $0x13E80, s15;
	[sflag:s9] =	ssyncadd.s32 $0xFFFFE000  }
0x144: {  	[tilespmem:s24], [sflag:$0x2] =	stream.indirect.gather [hbm4b:s1+s21], $0x80, s16, s21, $0xb8;
	[tilespmem:$0x1E400] =	vst v63  }
0x145: {  	_ =	swait.ge [sflag:s10], $0x2000  }
0x146: {  	[sflag:s10] =	ssyncset.done $0x0  }
0x147: {  	s16 =	sadd.s32 $0x13F00, s15;
	[sflag:s10] =	ssyncadd.s32 $0xFFFFE000  }
0x148: {  	[tilespmem:s26], [sflag:$0x3] =	stream.indirect.gather [hbm4b:s1+s21], $0x80, s16, s21, $0xb8;
	[tilespmem:$0x1E400] =	vst v63  }
0x149: {  	_ =	swait.ge [sflag:s11], $0x2000  }
0x14a: {  	[sflag:s11] =	ssyncset.done $0x0  }
0x14b: {  	s16 =	sadd.s32 $0x13F80, s15;
	[sflag:s11] =	ssyncadd.s32 $0xFFFFE000  }
0x14c: {  	[tilespmem:s29], [sflag:$0x4] =	stream.indirect.gather [hbm4b:s1+s21], $0x80, s16, s21, $0xb8;
	[tilespmem:$0x1E400] =	vst v63  }
0x14d: {  	_ =	swait.ge [sflag:s30], $0x2000  }
0x14e: {  	[sflag:s30] =	ssyncset.done $0x0  }
0x14f: {  	s16 =	sadd.s32 $0x15200, s15;
	[sflag:s30] =	ssyncadd.s32 $0xFFFFE000  }
0x150: {  	[spmem:s2] =	stream.indirect.scatter.add.f32 [tilespmem:s22], [sflag:$0x5], $0x80, s16, s21, $0xb8;
	[tilespmem:$0x1E400] =	vst v63  }
0x151: {  	_ =	swait.ge [sflag:s31], $0x2000  }
0x152: {  	[sflag:s31] =	ssyncset.done $0x0  }
0x153: {  	s16 =	sadd.s32 $0x15280, s15;
	[sflag:s31] =	ssyncadd.s32 $0xFFFFE000  }
0x154: {  	[spmem:s2] =	stream.indirect.scatter.add.f32 [tilespmem:s24], [sflag:$0x6], $0x80, s16, s21, $0xb8;
	[tilespmem:$0x1E400] =	vst v63  }
0x155: {  	_ =	swait.ge [sflag:s3], $0x2000  }
0x156: {  	[sflag:s3] =	ssyncset.done $0x0  }
.Ltmp2:
0x157: {  	s16 =	sadd.s32 $0x15300, s15;
	[sflag:s3] =	ssyncadd.s32 $0xFFFFE000;
	(pc) =	sbr.rel @p0 .LBB2_6-.Ltmp2, $4  }
0x158: {  	[spmem:s2] =	stream.indirect.scatter.add.f32 [tilespmem:s26], [sflag:$0x7], $0x80, s16, s21, $0xb8;
	[tilespmem:$0x1E400] =	vst v63  }
0x159: {  	_ =	swait.ge [sflag:s5], $0x2000  }
0x15a: {  	[sflag:s5] =	ssyncset.done $0x0  }
0x15b: {  	s15 =	sadd.s32 $0x15380, s15;
	[sflag:s5] =	ssyncadd.s32 $0xFFFFE000  }
0x15c: {  	[spmem:s2] =	stream.indirect.scatter.add.f32 [tilespmem:s29], [sflag:$0x8], $0x80, s15, s21, $0xb8;
	[tilespmem:$0x1E400] =	vst v63  }
0x15d: {  	_ =	swait.ge [sflag:s8], $0x2000  }
0x15e: {  	[sflag:s8] =	ssyncset.done $0x0  }
0x15f: {  	[sflag:s8] =	ssyncadd.s32 $0xFFFFE000  }
0x160: {  	_ =	swait.ge [sflag:s9], $0x2000  }
0x161: {  	[sflag:s9] =	ssyncset.done $0x0  }
0x162: {  	[sflag:s9] =	ssyncadd.s32 $0xFFFFE000  }
0x163: {  	_ =	swait.ge [sflag:s10], $0x2000  }
0x164: {  	[sflag:s10] =	ssyncset.done $0x0  }
0x165: {  	[sflag:s10] =	ssyncadd.s32 $0xFFFFE000  }
0x166: {  	_ =	swait.ge [sflag:s11], $0x2000  }
0x167: {  	[sflag:s11] =	ssyncset.done $0x0  }
0x168: {  	s14 =	simm.s32 $0x0;
	s16 =	rddreg [dreg:$0xd];
	[sflag:s11] =	ssyncadd.s32 $0xFFFFE000  }
0x169: {  	[tilespmem:s19], [sflag:$0x9] =	stream.linear.gather [hbm4b:s16+s14], $0x1400, $0x38;
	[tilespmem:$0x1E400] =	vst v63  }
0x16a: {  	_ =	swait.ge [sflag:s18], $0x1400  }
0x16b: {  	[sflag:s18] =	ssyncset.done $0x0  }
0x16c: {  	s16 =	rddreg [dreg:$0xe];
	[sflag:s18] =	ssyncadd.s32 $0xFFFFEC00  }
0x16d: {  	[tilespmem:s20], [sflag:$0x9] =	stream.linear.gather [hbm4b:s16+s14], $0x1400, $0x38;
	[tilespmem:$0x1E400] =	vst v63  }
0x16e: {  	_ =	swait.ge [sflag:s18], $0x1400  }
0x16f: {  	[sflag:s18] =	ssyncset.done $0x0  }
0x170: {  	[sflag:s18] =	ssyncadd.s32 $0xFFFFEC00  }
0x171: {  	[tilespmem:s22], [sflag:$0x1] =	stream.indirect.gather [hbm4b:s1+s21], $0x80, s19, s21, $0xb8;
	[tilespmem:$0x1E400] =	vst v63  }
0x172: {  	_ = 	snop  }
0x173: {  	[tilespmem:s24], [sflag:$0x2] =	stream.indirect.gather [hbm4b:s1+s21], $0x80, s23, s21, $0xb8;
	[tilespmem:$0x1E400] =	vst v63  }
0x174: {  	_ = 	snop  }
0x175: {  	[tilespmem:s26], [sflag:$0x3] =	stream.indirect.gather [hbm4b:s1+s21], $0x80, s25, s21, $0xb8;
	[tilespmem:$0x1E400] =	vst v63  }
0x176: {  	_ = 	snop  }
0x177: {  	[tilespmem:s29], [sflag:$0x4] =	stream.indirect.gather [hbm4b:s1+s21], $0x80, s28, s21, $0xb8;
	[tilespmem:$0x1E400] =	vst v63  }
0x178: {  	_ =	swait.ge [sflag:s30], $0x2000  }
0x179: {  	[sflag:s30] =	ssyncset.done $0x0  }
0x17a: {  	[sflag:s30] =	ssyncadd.s32 $0xFFFFE000  }
0x17b: {  	[spmem:s2] =	stream.indirect.scatter.add.f32 [tilespmem:s22], [sflag:$0x5], $0x80, s20, s21, $0xb8;
	[tilespmem:$0x1E400] =	vst v63  }
0x17c: {  	_ =	swait.ge [sflag:s31], $0x2000  }
0x17d: {  	[sflag:s31] =	ssyncset.done $0x0  }
0x17e: {  	[sflag:s31] =	ssyncadd.s32 $0xFFFFE000  }
0x17f: {  	[spmem:s2] =	stream.indirect.scatter.add.f32 [tilespmem:s24], [sflag:$0x6], $0x80, s0, s21, $0xb8;
	[tilespmem:$0x1E400] =	vst v63  }
0x180: {  	_ =	swait.ge [sflag:s3], $0x2000  }
0x181: {  	[sflag:s3] =	ssyncset.done $0x0  }
0x182: {  	[sflag:s3] =	ssyncadd.s32 $0xFFFFE000  }
0x183: {  	[spmem:s2] =	stream.indirect.scatter.add.f32 [tilespmem:s26], [sflag:$0x7], $0x80, s4, s21, $0xb8;
	[tilespmem:$0x1E400] =	vst v63  }
0x184: {  	_ =	swait.ge [sflag:s5], $0x2000  }
0x185: {  	[sflag:s5] =	ssyncset.done $0x0  }
0x186: {  	[sflag:s5] =	ssyncadd.s32 $0xFFFFE000  }
0x187: {  	[spmem:s2] =	stream.indirect.scatter.add.f32 [tilespmem:s29], [sflag:$0x8], $0x80, s6, s21, $0xb8;
	[tilespmem:$0x1E400] =	vst v63  }
0x188: {  	_ =	swait.ge [sflag:s8], $0x2000  }
0x189: {  	[sflag:s8] =	ssyncset.done $0x0  }
0x18a: {  	s16 =	simm.s32 $0x13E00;
	[sflag:s8] =	ssyncadd.s32 $0xFFFFE000  }
0x18b: {  	[tilespmem:s22], [sflag:$0x1] =	stream.indirect.gather [hbm4b:s1+s21], $0x80, s16, s21, $0xb8;
	[tilespmem:$0x1E400] =	vst v63  }
0x18c: {  	_ =	swait.ge [sflag:s9], $0x2000  }
0x18d: {  	[sflag:s9] =	ssyncset.done $0x0  }
0x18e: {  	s15 =	simm.s32 $0x13E80;
	[sflag:s9] =	ssyncadd.s32 $0xFFFFE000  }
0x18f: {  	[tilespmem:s24], [sflag:$0x2] =	stream.indirect.gather [hbm4b:s1+s21], $0x80, s15, s21, $0xb8;
	[tilespmem:$0x1E400] =	vst v63  }
0x190: {  	_ =	swait.ge [sflag:s10], $0x2000  }
0x191: {  	[sflag:s10] =	ssyncset.done $0x0  }
0x192: {  	s16 =	simm.s32 $0x13F00;
	[sflag:s10] =	ssyncadd.s32 $0xFFFFE000  }
0x193: {  	[tilespmem:s26], [sflag:$0x3] =	stream.indirect.gather [hbm4b:s1+s21], $0x80, s16, s21, $0xb8;
	[tilespmem:$0x1E400] =	vst v63  }
0x194: {  	_ =	swait.ge [sflag:s11], $0x2000  }
0x195: {  	[sflag:s11] =	ssyncset.done $0x0  }
0x196: {  	s15 =	simm.s32 $0x13F80;
	[sflag:s11] =	ssyncadd.s32 $0xFFFFE000  }
0x197: {  	[tilespmem:s29], [sflag:$0x4] =	stream.indirect.gather [hbm4b:s1+s21], $0x80, s15, s21, $0xb8;
	[tilespmem:$0x1E400] =	vst v63  }
0x198: {  	_ =	swait.ge [sflag:s30], $0x2000  }
0x199: {  	[sflag:s30] =	ssyncset.done $0x0  }
0x19a: {  	s16 =	simm.s32 $0x15200;
	[sflag:s30] =	ssyncadd.s32 $0xFFFFE000  }
0x19b: {  	[spmem:s2] =	stream.indirect.scatter.add.f32 [tilespmem:s22], [sflag:$0x5], $0x80, s16, s21, $0xb8;
	[tilespmem:$0x1E400] =	vst v63  }
0x19c: {  	_ =	swait.ge [sflag:s31], $0x2000  }
0x19d: {  	[sflag:s31] =	ssyncset.done $0x0  }
0x19e: {  	s15 =	simm.s32 $0x15280;
	[sflag:s31] =	ssyncadd.s32 $0xFFFFE000  }
0x19f: {  	[spmem:s2] =	stream.indirect.scatter.add.f32 [tilespmem:s24], [sflag:$0x6], $0x80, s15, s21, $0xb8;
	[tilespmem:$0x1E400] =	vst v63  }
0x1a0: {  	_ =	swait.ge [sflag:s3], $0x2000  }
0x1a1: {  	[sflag:s3] =	ssyncset.done $0x0  }
0x1a2: {  	s16 =	simm.s32 $0x15300;
	[sflag:s3] =	ssyncadd.s32 $0xFFFFE000  }
0x1a3: {  	[spmem:s2] =	stream.indirect.scatter.add.f32 [tilespmem:s26], [sflag:$0x7], $0x80, s16, s21, $0xb8;
	[tilespmem:$0x1E400] =	vst v63  }
0x1a4: {  	_ =	swait.ge [sflag:s5], $0x2000  }
0x1a5: {  	[sflag:s5] =	ssyncset.done $0x0  }
0x1a6: {  	s14 =	simm.s32 $0x800;
	s15 =	simm.s32 $0x15380;
	[sflag:s5] =	ssyncadd.s32 $0xFFFFE000  }
.LBB2_8:
0x1a7: {  	[spmem:s2] =	stream.indirect.scatter.add.f32 [tilespmem:s29], [sflag:$0x8], $0x80, s15, s21, $0xb8;
	[tilespmem:$0x1E400] =	vst v63  }
0x1a8: {  	s15 =	smov.u32 s14  }
0x1a9: {  	p0 =	sne.s32 s14, $0x4000;
	s14 =	sadd.s32 $0x800, s14;
	_ =	swait.ge [sflag:s8], $0x2000  }
0x1aa: {  	s15 =	sshra.s32 s15, $0x2;
	[sflag:s8] =	ssyncset.done $0x0  }
0x1ab: {  	s16 =	sadd.s32 $0x13E00, s15;
	[sflag:s8] =	ssyncadd.s32 $0xFFFFE000  }
0x1ac: {  	[tilespmem:s22], [sflag:$0x1] =	stream.indirect.gather [hbm4b:s1+s21], $0x80, s16, s21, $0xb8;
	[tilespmem:$0x1E400] =	vst v63  }
0x1ad: {  	_ =	swait.ge [sflag:s9], $0x2000  }
0x1ae: {  	[sflag:s9] =	ssyncset.done $0x0  }
0x1af: {  	s16 =	sadd.s32 $0x13E80, s15;
	[sflag:s9] =	ssyncadd.s32 $0xFFFFE000  }
0x1b0: {  	[tilespmem:s24], [sflag:$0x2] =	stream.indirect.gather [hbm4b:s1+s21], $0x80, s16, s21, $0xb8;
	[tilespmem:$0x1E400] =	vst v63  }
0x1b1: {  	_ =	swait.ge [sflag:s10], $0x2000  }
0x1b2: {  	[sflag:s10] =	ssyncset.done $0x0  }
0x1b3: {  	s16 =	sadd.s32 $0x13F00, s15;
	[sflag:s10] =	ssyncadd.s32 $0xFFFFE000  }
0x1b4: {  	[tilespmem:s26], [sflag:$0x3] =	stream.indirect.gather [hbm4b:s1+s21], $0x80, s16, s21, $0xb8;
	[tilespmem:$0x1E400] =	vst v63  }
0x1b5: {  	_ =	swait.ge [sflag:s11], $0x2000  }
0x1b6: {  	[sflag:s11] =	ssyncset.done $0x0  }
0x1b7: {  	s16 =	sadd.s32 $0x13F80, s15;
	[sflag:s11] =	ssyncadd.s32 $0xFFFFE000  }
0x1b8: {  	[tilespmem:s29], [sflag:$0x4] =	stream.indirect.gather [hbm4b:s1+s21], $0x80, s16, s21, $0xb8;
	[tilespmem:$0x1E400] =	vst v63  }
0x1b9: {  	_ =	swait.ge [sflag:s30], $0x2000  }
0x1ba: {  	[sflag:s30] =	ssyncset.done $0x0  }
0x1bb: {  	s16 =	sadd.s32 $0x15200, s15;
	[sflag:s30] =	ssyncadd.s32 $0xFFFFE000  }
0x1bc: {  	[spmem:s2] =	stream.indirect.scatter.add.f32 [tilespmem:s22], [sflag:$0x5], $0x80, s16, s21, $0xb8;
	[tilespmem:$0x1E400] =	vst v63  }
0x1bd: {  	_ =	swait.ge [sflag:s31], $0x2000  }
0x1be: {  	[sflag:s31] =	ssyncset.done $0x0  }
0x1bf: {  	s16 =	sadd.s32 $0x15280, s15;
	[sflag:s31] =	ssyncadd.s32 $0xFFFFE000  }
0x1c0: {  	[spmem:s2] =	stream.indirect.scatter.add.f32 [tilespmem:s24], [sflag:$0x6], $0x80, s16, s21, $0xb8;
	[tilespmem:$0x1E400] =	vst v63  }
0x1c1: {  	_ =	swait.ge [sflag:s3], $0x2000  }
0x1c2: {  	[sflag:s3] =	ssyncset.done $0x0  }
.Ltmp3:
0x1c3: {  	s16 =	sadd.s32 $0x15300, s15;
	[sflag:s3] =	ssyncadd.s32 $0xFFFFE000;
	(pc) =	sbr.rel @p0 .LBB2_8-.Ltmp3, $4  }
0x1c4: {  	[spmem:s2] =	stream.indirect.scatter.add.f32 [tilespmem:s26], [sflag:$0x7], $0x80, s16, s21, $0xb8;
	[tilespmem:$0x1E400] =	vst v63  }
0x1c5: {  	_ =	swait.ge [sflag:s5], $0x2000  }
0x1c6: {  	[sflag:s5] =	ssyncset.done $0x0  }
0x1c7: {  	s15 =	sadd.s32 $0x15380, s15;
	[sflag:s5] =	ssyncadd.s32 $0xFFFFE000  }
0x1c8: {  	[spmem:s2] =	stream.indirect.scatter.add.f32 [tilespmem:s29], [sflag:$0x8], $0x80, s15, s21, $0xb8;
	[tilespmem:$0x1E400] =	vst v63  }
0x1c9: {  	_ =	swait.ge [sflag:s8], $0x2000  }
0x1ca: {  	[sflag:s8] =	ssyncset.done $0x0  }
0x1cb: {  	[sflag:s8] =	ssyncadd.s32 $0xFFFFE000  }
0x1cc: {  	_ =	swait.ge [sflag:s9], $0x2000  }
0x1cd: {  	[sflag:s9] =	ssyncset.done $0x0  }
0x1ce: {  	[sflag:s9] =	ssyncadd.s32 $0xFFFFE000  }
0x1cf: {  	_ =	swait.ge [sflag:s10], $0x2000  }
0x1d0: {  	[sflag:s10] =	ssyncset.done $0x0  }
0x1d1: {  	[sflag:s10] =	ssyncadd.s32 $0xFFFFE000  }
0x1d2: {  	_ =	swait.ge [sflag:s11], $0x2000  }
0x1d3: {  	[sflag:s11] =	ssyncset.done $0x0  }
0x1d4: {  	[sflag:s11] =	ssyncadd.s32 $0xFFFFE000  }
0x1d5: {  	[bflag:$0x0] =	sbarrier.arrive $0xFFFF  }
0x1d6: {  	[hbm:s17], [sflag:s7] =	dma.local [spmem:s13], $0x2780  }
0x1d7: {  	_ =	swait.ge [sflag:s18], $0x2780  }
0x1d8: {  	s12 =	sadd.s32 $0x1, s12;
	s16 =	rddreg [dreg:$0xf]  }
0x1d9: {  	p0 =	sne.s32 s12, s16  }
.Ltmp4:
0x1da: {  	_ = 	snop;
	(pc) =	sbr.rel @p0 .LBB2_1-.Ltmp4, $3  }
0x1db: {  	_ =	sdelay $0x1  }
0x1dc: {  	[sflag:s18] =	ssyncset.done $0x0  }
0x1dd: {  	[sflag:s18] =	ssyncadd.s32 $0xFFFFD880  }
0x1de: {  	_ =	sfence.sel $0x180000  }
0x1df: {  	[bflag:$0x0] =	sbarrier.arrive $0xFFFF  }
0x1e0: {  	_ =	strace $0x90000047  }
0x1e1: {  	s0 =	stileid.u32;
	[bflag:$0x2] =	sbarrier.arrive $0xFFFF  }
0x1e2: {  	p0 =	sne.s32 s0, $0x0;
	s0 =	rddreg [dreg:$0x4]  }
0x1e3: {  	s0 =	sadd.s32 @!p0 $0x100000, s0  }
0x1e4: {  	[sflag:s0] =	ssyncadd.tile.s32 @!p0 $0x1;
	_ =	shalt  }
.Lfunc_end2:
_tile_overlayer_lowered:
.L_overlay_start_2:
0x1e5: {  	(tag) =	ssettag $0x2  }
0x1e6: {  	s0 =	rddreg [dreg:$0x0];
	s2 =	stileid.u32  }
0x1e7: {  	s1 =	rddreg [dreg:$0x1];
	p0 =	sne.s32 s2, $0x0  }
0x1e8: {  	s3 =	rddreg [dreg:$0x2];
	[bflag:$0x3] =	sbarrier.arrive $0xFFFF;
	s2 =	simm.s32 @!p0 $0x1C09  }
0x1e9: {  	[timem:s3], [sflag:s2] =	dma.local @!p0 [hbm:s0], s1  }
0x1ea: {  	s0 =	simm.s32 @!p0 $0x9  }
0x1eb: {  	_ =	swait.ge @!p0 [sflag:s0], s1  }
0x1ec: {  	s1 =	ssub.s32 @!p0 $0x0, s1;
	[sflag:s0] =	ssyncset.done @!p0 $0x0  }
0x1ed: {  	[sflag:s0] =	ssyncadd.s32 @!p0 s1  }
0x1ee: {  	[bflag:$0x3] =	sbarrier.arrive $0xFFFF  }
0x1ef: {  	_ =	shalt  }

</sc_bundles>
